<compile_context>
chip_gen: v7x
topology: tpu7x:2x2x1
jax: 0.10.2.dev20260603
libtpu: 0.0.44.dev20260713+nightly
codegen_flags: <defaults>
</compile_context>

<pallas_src>
import jax
import jax.numpy as jnp
from jax import lax
from jax.experimental import pallas as pl
from jax.experimental.pallas import tpu as pltpu
from jax.experimental.pallas import tpu_sc as plsc

NC = 2
NS = 16
K = 125


def _deg_body(edge_hbm, ones_hbm, zeros_hbm, out_hbm, dacc, idx2, ones_v):
    c = lax.axis_index("c")
    s = lax.axis_index("s")
    t = c * NS + s
    slab = dacc.shape[0] // NS
    cpt = edge_hbm.shape[2]
    pltpu.sync_copy(zeros_hbm, dacc.at[pl.ds(s * slab, slab)])
    pltpu.sync_copy(ones_hbm, ones_v)
    plsc.subcore_barrier()

    def body(j, carry):
        pltpu.sync_copy(edge_hbm.at[1, t, j], idx2)
        pltpu.sync_copy(ones_v, dacc.at[idx2.at[0]], add=True)
        return carry

    lax.fori_loop(0, cpt, body, 0)
    plsc.subcore_barrier()
    pltpu.sync_copy(dacc.at[pl.ds(s * slab, slab)],
                    out_hbm.at[c, pl.ds(s * slab, slab)])


def _prop_body(hs_hbm, edge_hbm, zeros_hbm, out_hbm, acc, srcs, dsts,
               rows0, rows1, sem0, sem1):
    c = lax.axis_index("c")
    s = lax.axis_index("s")
    t = c * NS + s
    slab = acc.shape[0] // NS
    nhalf = edge_hbm.shape[2]
    half = srcs.shape[0]
    pltpu.sync_copy(zeros_hbm, acc.at[pl.ds(s * slab, slab)])
    plsc.subcore_barrier()

    for h in range(nhalf):
        pltpu.sync_copy(edge_hbm.at[0, t, h], srcs)
        pltpu.sync_copy(edge_hbm.at[1, t, h], dsts)
        pltpu.async_copy(hs_hbm.at[srcs.at[0]], rows0, sem0)

        def body(g, carry):
            j0 = g * 2
            j1 = j0 + 1
            pltpu.async_copy(hs_hbm.at[srcs.at[j1]], rows1, sem1)
            pltpu.make_async_copy(hs_hbm.at[srcs.at[j0]], rows0, sem0).wait()
            pltpu.sync_copy(rows0, acc.at[dsts.at[j0]], add=True)

            @pl.when(j0 + 2 < half)
            def _():
                pltpu.async_copy(hs_hbm.at[srcs.at[j0 + 2]], rows0, sem0)

            pltpu.make_async_copy(hs_hbm.at[srcs.at[j1]], rows1, sem1).wait()
            pltpu.sync_copy(rows1, acc.at[dsts.at[j1]], add=True)
            return carry

        lax.fori_loop(0, half // 2, body, 0)
    plsc.subcore_barrier()
    pltpu.sync_copy(acc.at[pl.ds(s * slab, slab)],
                    out_hbm.at[c, pl.ds(s * slab, slab)])


def _dinv_b(degp_ref, n, d):
    dp = degp_ref[...]
    deg = dp[0, :n, :1] + dp[1, :n, :1] + 1.0
    return jnp.broadcast_to(lax.rsqrt(deg), (n, d))


def _tc1_body(x_ref, w1_ref, degp_ref, hs1_ref, dinv_ref):
    n, d = hs1_ref.shape
    dinv_b = _dinv_b(degp_ref, n, d)
    h = jnp.dot(x_ref[...], w1_ref[...],
                preferred_element_type=jnp.float32)
    hs1_ref[...] = h * dinv_b
    dinv_ref[...] = dinv_b


def _tc_mid_body(p_ref, hs1_ref, dinv_ref, b1_ref, w2_ref, wlin_ref,
                 hs2_ref, acc_ref):
    n, d = hs1_ref.shape
    dinv = dinv_ref[...]
    p = p_ref[...]
    x1 = jnp.maximum(
        dinv * (p[0, :n] + p[1, :n] + hs1_ref[...]) + b1_ref[...], 0.0)
    hs2_ref[...] = jnp.dot(x1, w2_ref[...],
                           preferred_element_type=jnp.float32) * dinv
    acc_ref[...] = jnp.dot(x1, wlin_ref[:d, :],
                           preferred_element_type=jnp.float32)


def _tc_fin_body(q_ref, hs2_ref, dinv_ref, b2_ref, acc_ref, wlin_ref,
                 blin_ref, out_ref):
    n, d = hs2_ref.shape
    dinv = dinv_ref[...]
    q = q_ref[...]
    x2 = jnp.maximum(
        dinv * (q[0, :n] + q[1, :n] + hs2_ref[...]) + b2_ref[...], 0.0)
    out_ref[...] = acc_ref[...] + jnp.dot(
        x2, wlin_ref[d:, :], preferred_element_type=jnp.float32) + blin_ref[...]


def kernel(x, edge_index, W1, b1, W2, b2, Wlin, blin):
    n, d_in = x.shape
    e = edge_index.shape[1]
    d_hid = W1.shape[1]
    d_out = Wlin.shape[1]
    assert e % (K * NC * NS) == 0
    npad = ((n + 8 * NS - 1) // (8 * NS)) * (8 * NS)
    slab = npad // NS
    cpt = e // K // (NC * NS)
    assert cpt % 16 == 0

    edge_p5 = edge_index.reshape(2, NC * NS, 2, cpt // 2, K)
    edge_d5 = edge_index.reshape(2, NC * NS, cpt, 1, K)
    zeros_p = jnp.zeros((slab, 128), jnp.float32)
    ones_k = jnp.ones((K, 128), jnp.float32)

    mesh = plsc.VectorSubcoreMesh(core_axis_name="c", subcore_axis_name="s")

    deg_call = pl.kernel(
        _deg_body,
        out_type=jax.ShapeDtypeStruct((NC, npad, 128), jnp.float32),
        mesh=mesh,
        scratch_types=[
            pltpu.VMEM_SHARED((npad, 128), jnp.float32),
            pltpu.VMEM((1, K), jnp.int32),
            pltpu.VMEM((K, 128), jnp.float32),
        ],
    )
    prop_call = pl.kernel(
        _prop_body,
        out_type=jax.ShapeDtypeStruct((NC, npad, d_hid), jnp.float32),
        mesh=mesh,
        scratch_types=[
            pltpu.VMEM_SHARED((npad, d_hid), jnp.float32),
            pltpu.VMEM((cpt // 2, K), jnp.int32),
            pltpu.VMEM((cpt // 2, K), jnp.int32),
            pltpu.VMEM((K, d_hid), jnp.float32),
            pltpu.VMEM((K, d_hid), jnp.float32),
            pltpu.SemaphoreType.DMA,
            pltpu.SemaphoreType.DMA,
        ],
    )

    degp = deg_call(edge_d5, ones_k, zeros_p)

    hs1, dinv_b = pl.pallas_call(
        _tc1_body,
        out_shape=[
            jax.ShapeDtypeStruct((n, d_hid), jnp.float32),
            jax.ShapeDtypeStruct((n, d_hid), jnp.float32),
        ],
    )(x, W1, degp)

    p_part = prop_call(hs1, edge_p5, zeros_p)

    hs2, acc = pl.pallas_call(
        _tc_mid_body,
        out_shape=[
            jax.ShapeDtypeStruct((n, d_hid), jnp.float32),
            jax.ShapeDtypeStruct((n, d_out), jnp.float32),
        ],
    )(p_part, hs1, dinv_b, b1, W2, Wlin)

    q_part = prop_call(hs2, edge_p5, zeros_p)

    out = pl.pallas_call(
        _tc_fin_body,
        out_shape=jax.ShapeDtypeStruct((n, d_out), jnp.float32),
    )(q_part, hs2, dinv_b, b2, acc, Wlin, blin)

    return out

# --- scband reference (transcript-rebuilt; emitter-appended) ---
"""Pipeline reference for scband-block-6803228196877 (READ-ONLY COPY).

The authoritative reference and input builder live on the scoring server;
editing this copy changes nothing except your own understanding.
"""

import jax, jax.numpy as jnp
import numpy as np

N = 10000
D_IN = 128
D_HID = 128
D_OUT = 128
E = 320000


def gcn_conv(x, edge_index, W, b):
    n = x.shape[0]
    src = edge_index[0]
    dst = edge_index[1]
    # add self loops
    loop = jnp.arange(n, dtype=src.dtype)
    src = jnp.concatenate([src, loop])
    dst = jnp.concatenate([dst, loop])
    # symmetric normalization D^{-1/2} (A+I) D^{-1/2}
    deg = jnp.zeros((n,), dtype=x.dtype).at[dst].add(1.0)
    dinv = jnp.where(deg > 0, jax.lax.rsqrt(jnp.maximum(deg, 1e-12)), 0.0)
    norm = dinv[src] * dinv[dst]
    h = x @ W
    msg = h[src] * norm[:, None]
    out = jnp.zeros((n, W.shape[1]), dtype=x.dtype).at[dst].add(msg)
    return out + b


def setup_inputs(seed: int = 0) -> dict:
    key = jax.random.key(seed)
    ks = jax.random.split(key, 8)
    x = jax.random.normal(ks[0], (N, D_IN), dtype=jnp.float32)
    edge_index = jax.random.randint(ks[1], (2, E), 0, N, dtype=jnp.int32)
    W1 = jax.random.normal(ks[2], (D_IN, D_HID), dtype=jnp.float32) * (1.0 / np.sqrt(D_IN))
    b1 = jnp.zeros((D_HID,), dtype=jnp.float32)
    W2 = jax.random.normal(ks[3], (D_HID, D_HID), dtype=jnp.float32) * (1.0 / np.sqrt(D_HID))
    b2 = jnp.zeros((D_HID,), dtype=jnp.float32)
    Wlin = jax.random.normal(ks[4], (2 * D_HID, D_OUT), dtype=jnp.float32) * (1.0 / np.sqrt(2 * D_HID))
    blin = jnp.zeros((D_OUT,), dtype=jnp.float32)
    return {"x": x, "edge_index": edge_index, "W1": W1, "b1": b1, "W2": W2, "b2": b2, "Wlin": Wlin, "blin": blin}


def reference(x, edge_index, W1, b1, W2, b2, Wlin, blin):
    x1 = jax.nn.relu(gcn_conv(x, edge_index, W1, b1))
    x2 = jax.nn.relu(gcn_conv(x1, edge_index, W2, b2))
    # JumpingKnowledge mode='cat' followed by final linear
    xcat = jnp.concatenate([x1, x2], axis=-1)
    return xcat @ Wlin + blin

if __name__ == "__main__":
    import jax
    _d = setup_inputs()
    print(jax.jit(kernel)(*tuple(_d.values())))

</pallas_src>

<mosaic_0001>
#map = affine_map<(d0, d1) -> (0, 0, 0, 0, 0)>
#map1 = affine_map<(d0, d1) -> (0, 0)>
#map2 = affine_map<(d0, d1) -> (0, 0, 0)>
module attributes {stable_mosaic.version = 14 : i64} {
  func.func @_deg_body(%arg0: i32, %arg1: i32, %arg2: memref<2x32x80x1x125xi32, #tpu.memory_space<hbm>>, %arg3: memref<125x128xf32, #tpu.memory_space<hbm>>, %arg4: memref<632x128xf32, #tpu.memory_space<hbm>>, %arg5: memref<2x10112x128xf32, #tpu.memory_space<hbm>>, %arg6: memref<10112x128xf32, #tpu.memory_space<vmem_shared>>, %arg7: memref<1x125xi32, #tpu.memory_space<vmem>>, %arg8: memref<125x128xf32, #tpu.memory_space<vmem>>) attributes {dimension_semantics = [#tpu.dimension_semantics<core_parallel>, #tpu.dimension_semantics<subcore_parallel>], iteration_bounds = array<i64: 2, 16>, scalar_prefetch = 0 : i64, scratch_operands = 3 : i64, tpu.core_type = #tpu.core_type<sc_vector_subcore>, window_params = [{transform_indices = #map}, {transform_indices = #map1}, {transform_indices = #map1}, {transform_indices = #map2}]} {
    %mul3A = arith.constant 16 : i32
    %mul3A_0 = arith.muli %arg0, %mul3A : i32
    %add3A = arith.addi %mul3A_0, %arg1 : i32
    %mul3A_1 = arith.constant 632 : i32
    %mul3A_2 = arith.muli %arg1, %mul3A_1 : i32
    "tpu.region"() ({
      %run_scoped3A = tpu.sem_alloc : memref<!tpu.dma_semaphore, #tpu.memory_space<semaphore_mem>>
      %dma_start3A = arith.constant 0 : i32
      %dma_start3A_13 = tpu.memref_slice %arg6[%mul3A_2, %dma_start3A] : memref<10112x128xf32, #tpu.memory_space<vmem_shared>> -> memref<632x128xf32, #tpu.memory_space<vmem_shared>>
      tpu.enqueue_dma source(%arg4 : memref<632x128xf32, #tpu.memory_space<hbm>>) target(%dma_start3A_13 : memref<632x128xf32, #tpu.memory_space<vmem_shared>>) target_semaphore(%run_scoped3A : memref<!tpu.dma_semaphore, #tpu.memory_space<semaphore_mem>>)
      %dma_wait3A = arith.constant 0 : i32
      %dma_wait3A_14 = tpu.memref_slice %arg6[%mul3A_2, %dma_wait3A] : memref<10112x128xf32, #tpu.memory_space<vmem_shared>> -> memref<632x128xf32, #tpu.memory_space<vmem_shared>>
      tpu.wait_dma2 semaphore(%run_scoped3A : memref<!tpu.dma_semaphore, #tpu.memory_space<semaphore_mem>>) src(%arg4 : memref<632x128xf32, #tpu.memory_space<hbm>>) dst(%dma_wait3A_14 : memref<632x128xf32, #tpu.memory_space<vmem_shared>>)
      tpu.yield
    }) : () -> ()
    "tpu.region"() ({
      %run_scoped3A = tpu.sem_alloc : memref<!tpu.dma_semaphore, #tpu.memory_space<semaphore_mem>>
      tpu.enqueue_dma source(%arg3 : memref<125x128xf32, #tpu.memory_space<hbm>>) target(%arg8 : memref<125x128xf32, #tpu.memory_space<vmem>>) target_semaphore(%run_scoped3A : memref<!tpu.dma_semaphore, #tpu.memory_space<semaphore_mem>>)
      tpu.wait_dma2 semaphore(%run_scoped3A : memref<!tpu.dma_semaphore, #tpu.memory_space<semaphore_mem>>) src(%arg3 : memref<125x128xf32, #tpu.memory_space<hbm>>) dst(%arg8 : memref<125x128xf32, #tpu.memory_space<vmem>>)
      tpu.yield
    }) : () -> ()
    %barrier3A = arith.constant 0 : index
    tpu.barrier barrier_id(%barrier3A)
    %scan3A = arith.constant 0 : i32
    %scan3A_3 = arith.constant 0 : i32
    %scan3A_4 = arith.constant 80 : i32
    %scan3A_5 = arith.addi %scan3A_3, %scan3A_4 : i32
    %scan3A_6 = arith.constant 1 : i32
    scf.for %scan3A_13 = %scan3A_3 to %scan3A_5 step %scan3A_6  : i32 {
      %run_scoped3A = arith.constant 1 : i32
      "tpu.region"() ({
        %run_scoped3A_15 = tpu.sem_alloc : memref<!tpu.dma_semaphore, #tpu.memory_space<semaphore_mem>>
        %dma_start3A = arith.constant 0 : i32
        %dma_start3A_16 = arith.constant 0 : i32
        %dma_start3A_17 = tpu.memref_slice %arg2[%run_scoped3A, %add3A, %scan3A_13, %dma_start3A, %dma_start3A_16] : memref<2x32x80x1x125xi32, #tpu.memory_space<hbm>> -> memref<1x1x1x1x125xi32, #tpu.memory_space<hbm>>
        %dma_start3A_18 = tpu.memref_squeeze %dma_start3A_17 : memref<1x1x1x1x125xi32, #tpu.memory_space<hbm>> -> memref<1x125xi32, #tpu.memory_space<hbm>>
        %dma_start3A_19 = arith.constant 0 : i32
        %dma_start3A_20 = arith.constant 0 : i32
        %dma_start3A_21 = tpu.memref_slice %arg2[%run_scoped3A, %add3A, %scan3A_13, %dma_start3A_19, %dma_start3A_20] : memref<2x32x80x1x125xi32, #tpu.memory_space<hbm>> -> memref<1x1x1x1x125xi32, #tpu.memory_space<hbm>>
        %dma_start3A_22 = tpu.memref_squeeze %dma_start3A_21 : memref<1x1x1x1x125xi32, #tpu.memory_space<hbm>> -> memref<1x125xi32, #tpu.memory_space<hbm>>
        tpu.enqueue_dma source(%dma_start3A_22 : memref<1x125xi32, #tpu.memory_space<hbm>>) target(%arg7 : memref<1x125xi32, #tpu.memory_space<vmem>>) target_semaphore(%run_scoped3A_15 : memref<!tpu.dma_semaphore, #tpu.memory_space<semaphore_mem>>)
        %dma_wait3A = arith.constant 0 : i32
        %dma_wait3A_23 = arith.constant 0 : i32
        %dma_wait3A_24 = tpu.memref_slice %arg2[%run_scoped3A, %add3A, %scan3A_13, %dma_wait3A, %dma_wait3A_23] : memref<2x32x80x1x125xi32, #tpu.memory_space<hbm>> -> memref<1x1x1x1x125xi32, #tpu.memory_space<hbm>>
        %dma_wait3A_25 = tpu.memref_squeeze %dma_wait3A_24 : memref<1x1x1x1x125xi32, #tpu.memory_space<hbm>> -> memref<1x125xi32, #tpu.memory_space<hbm>>
        %dma_wait3A_26 = arith.constant 0 : i32
        %dma_wait3A_27 = arith.constant 0 : i32
        %dma_wait3A_28 = tpu.memref_slice %arg2[%run_scoped3A, %add3A, %scan3A_13, %dma_wait3A_26, %dma_wait3A_27] : memref<2x32x80x1x125xi32, #tpu.memory_space<hbm>> -> memref<1x1x1x1x125xi32, #tpu.memory_space<hbm>>
        %dma_wait3A_29 = tpu.memref_squeeze %dma_wait3A_28 : memref<1x1x1x1x125xi32, #tpu.memory_space<hbm>> -> memref<1x125xi32, #tpu.memory_space<hbm>>
        tpu.wait_dma2 semaphore(%run_scoped3A_15 : memref<!tpu.dma_semaphore, #tpu.memory_space<semaphore_mem>>) src(%dma_wait3A_29 : memref<1x125xi32, #tpu.memory_space<hbm>>) dst(%arg7 : memref<1x125xi32, #tpu.memory_space<vmem>>)
        tpu.yield
      }) : () -> ()
      %run_scoped3A_14 = arith.constant 0 : i32
      "tpu.region"() ({
        %run_scoped3A_15 = tpu.sem_alloc : memref<!tpu.dma_semaphore, #tpu.memory_space<semaphore_mem>>
        %dma_start3A = arith.constant 0 : i32
        %dma_start3A_16 = tpu.memref_slice %arg7[%run_scoped3A_14, %dma_start3A] : memref<1x125xi32, #tpu.memory_space<vmem>> -> memref<1x125xi32, #tpu.memory_space<vmem>>
        %dma_start3A_17 = tpu.memref_squeeze %dma_start3A_16 : memref<1x125xi32, #tpu.memory_space<vmem>> -> memref<125xi32, #tpu.memory_space<vmem>>
        %dma_start3A_18 = arith.constant 0 : i32
        %dma_start3A_19 = arith.constant 0 : i32
        %dma_start3A_20 = tpu.memref_slice %arg6[%dma_start3A_18, %dma_start3A_19] : memref<10112x128xf32, #tpu.memory_space<vmem_shared>> -> memref<10112x128xf32, #tpu.memory_space<vmem_shared>>
        tpu.enqueue_indirect_dma source(%arg8 : memref<125x128xf32, #tpu.memory_space<vmem>>) target(%dma_start3A_20 : memref<10112x128xf32, #tpu.memory_space<vmem_shared>>) offsets(%dma_start3A_17 : memref<125xi32, #tpu.memory_space<vmem>>) semaphore(%run_scoped3A_15 : memref<!tpu.dma_semaphore, #tpu.memory_space<semaphore_mem>>) {add = true}
        %dma_wait3A = arith.constant 0 : i32
        %dma_wait3A_21 = tpu.memref_slice %arg7[%run_scoped3A_14, %dma_wait3A] : memref<1x125xi32, #tpu.memory_space<vmem>> -> memref<1x125xi32, #tpu.memory_space<vmem>>
        %dma_wait3A_22 = tpu.memref_squeeze %dma_wait3A_21 : memref<1x125xi32, #tpu.memory_space<vmem>> -> memref<125xi32, #tpu.memory_space<vmem>>
        %dma_wait3A_23 = arith.constant 0 : i32
        %dma_wait3A_24 = arith.constant 0 : i32
        %dma_wait3A_25 = tpu.memref_slice %arg6[%dma_wait3A_23, %dma_wait3A_24] : memref<10112x128xf32, #tpu.memory_space<vmem_shared>> -> memref<10112x128xf32, #tpu.memory_space<vmem_shared>>
        tpu.wait_indirect_dma semaphore(%run_scoped3A_15 : memref<!tpu.dma_semaphore, #tpu.memory_space<semaphore_mem>>) src(%arg8 : memref<125x128xf32, #tpu.memory_space<vmem>>) dst(%dma_wait3A_25 : memref<10112x128xf32, #tpu.memory_space<vmem_shared>>)
        tpu.yield
      }) : () -> ()
    }
    %scan3A_7 = arith.constant 80 : i32
    %barrier3A_8 = arith.constant 0 : index
    tpu.barrier barrier_id(%barrier3A_8)
    %mul3A_9 = arith.constant 632 : i32
    %mul3A_10 = arith.muli %arg1, %mul3A_9 : i32
    %mul3A_11 = arith.constant 632 : i32
    %mul3A_12 = arith.muli %arg1, %mul3A_11 : i32
    "tpu.region"() ({
      %run_scoped3A = tpu.sem_alloc : memref<!tpu.dma_semaphore, #tpu.memory_space<semaphore_mem>>
      %dma_start3A = arith.constant 0 : i32
      %dma_start3A_13 = tpu.memref_slice %arg5[%arg0, %mul3A_12, %dma_start3A] : memref<2x10112x128xf32, #tpu.memory_space<hbm>> -> memref<1x632x128xf32, #tpu.memory_space<hbm>>
      %dma_start3A_14 = tpu.memref_squeeze %dma_start3A_13 : memref<1x632x128xf32, #tpu.memory_space<hbm>> -> memref<632x128xf32, #tpu.memory_space<hbm>>
      %dma_start3A_15 = arith.constant 0 : i32
      %dma_start3A_16 = tpu.memref_slice %arg6[%mul3A_10, %dma_start3A_15] : memref<10112x128xf32, #tpu.memory_space<vmem_shared>> -> memref<632x128xf32, #tpu.memory_space<vmem_shared>>
      tpu.enqueue_dma source(%dma_start3A_16 : memref<632x128xf32, #tpu.memory_space<vmem_shared>>) target(%dma_start3A_14 : memref<632x128xf32, #tpu.memory_space<hbm>>) target_semaphore(%run_scoped3A : memref<!tpu.dma_semaphore, #tpu.memory_space<semaphore_mem>>)
      %dma_wait3A = arith.constant 0 : i32
      %dma_wait3A_17 = tpu.memref_slice %arg5[%arg0, %mul3A_12, %dma_wait3A] : memref<2x10112x128xf32, #tpu.memory_space<hbm>> -> memref<1x632x128xf32, #tpu.memory_space<hbm>>
      %dma_wait3A_18 = tpu.memref_squeeze %dma_wait3A_17 : memref<1x632x128xf32, #tpu.memory_space<hbm>> -> memref<632x128xf32, #tpu.memory_space<hbm>>
      %dma_wait3A_19 = arith.constant 0 : i32
      %dma_wait3A_20 = tpu.memref_slice %arg6[%mul3A_10, %dma_wait3A_19] : memref<10112x128xf32, #tpu.memory_space<vmem_shared>> -> memref<632x128xf32, #tpu.memory_space<vmem_shared>>
      tpu.wait_dma2 semaphore(%run_scoped3A : memref<!tpu.dma_semaphore, #tpu.memory_space<semaphore_mem>>) src(%dma_wait3A_20 : memref<632x128xf32, #tpu.memory_space<vmem_shared>>) dst(%dma_wait3A_18 : memref<632x128xf32, #tpu.memory_space<hbm>>)
      tpu.yield
    }) : () -> ()
    return
  }
}

#map = affine_map<(d0, d1) -> (0, 0)>
#map1 = affine_map<(d0, d1) -> (0, 0, 0, 0, 0)>
#map2 = affine_map<(d0, d1) -> (0, 0, 0)>
module attributes {stable_mosaic.version = 14 : i64} {
  func.func @_prop_body(%arg0: i32, %arg1: i32, %arg2: memref<10000x128xf32, #tpu.memory_space<hbm>>, %arg3: memref<2x32x2x40x125xi32, #tpu.memory_space<hbm>>, %arg4: memref<632x128xf32, #tpu.memory_space<hbm>>, %arg5: memref<2x10112x128xf32, #tpu.memory_space<hbm>>, %arg6: memref<10112x128xf32, #tpu.memory_space<vmem_shared>>, %arg7: memref<40x125xi32, #tpu.memory_space<vmem>>, %arg8: memref<40x125xi32, #tpu.memory_space<vmem>>, %arg9: memref<125x128xf32, #tpu.memory_space<vmem>>, %arg10: memref<125x128xf32, #tpu.memory_space<vmem>>, %arg11: memref<!tpu.dma_semaphore, #tpu.memory_space<semaphore_mem>>, %arg12: memref<!tpu.dma_semaphore, #tpu.memory_space<semaphore_mem>>) attributes {dimension_semantics = [#tpu.dimension_semantics<core_parallel>, #tpu.dimension_semantics<subcore_parallel>], iteration_bounds = array<i64: 2, 16>, scalar_prefetch = 0 : i64, scratch_operands = 7 : i64, tpu.core_type = #tpu.core_type<sc_vector_subcore>, window_params = [{transform_indices = #map}, {transform_indices = #map1}, {transform_indices = #map}, {transform_indices = #map2}]} {
    %mul3A = arith.constant 16 : i32
    %mul3A_0 = arith.muli %arg0, %mul3A : i32
    %add3A = arith.addi %mul3A_0, %arg1 : i32
    %mul3A_1 = arith.constant 632 : i32
    %mul3A_2 = arith.muli %arg1, %mul3A_1 : i32
    "tpu.region"() ({
      %run_scoped3A_39 = tpu.sem_alloc : memref<!tpu.dma_semaphore, #tpu.memory_space<semaphore_mem>>
      %dma_start3A_40 = arith.constant 0 : i32
      %dma_start3A_41 = tpu.memref_slice %arg6[%mul3A_2, %dma_start3A_40] : memref<10112x128xf32, #tpu.memory_space<vmem_shared>> -> memref<632x128xf32, #tpu.memory_space<vmem_shared>>
      tpu.enqueue_dma source(%arg4 : memref<632x128xf32, #tpu.memory_space<hbm>>) target(%dma_start3A_41 : memref<632x128xf32, #tpu.memory_space<vmem_shared>>) target_semaphore(%run_scoped3A_39 : memref<!tpu.dma_semaphore, #tpu.memory_space<semaphore_mem>>)
      %dma_wait3A = arith.constant 0 : i32
      %dma_wait3A_42 = tpu.memref_slice %arg6[%mul3A_2, %dma_wait3A] : memref<10112x128xf32, #tpu.memory_space<vmem_shared>> -> memref<632x128xf32, #tpu.memory_space<vmem_shared>>
      tpu.wait_dma2 semaphore(%run_scoped3A_39 : memref<!tpu.dma_semaphore, #tpu.memory_space<semaphore_mem>>) src(%arg4 : memref<632x128xf32, #tpu.memory_space<hbm>>) dst(%dma_wait3A_42 : memref<632x128xf32, #tpu.memory_space<vmem_shared>>)
      tpu.yield
    }) : () -> ()
    %barrier3A = arith.constant 0 : index
    tpu.barrier barrier_id(%barrier3A)
    %run_scoped3A = arith.constant 0 : i32
    %run_scoped3A_3 = arith.constant 0 : i32
    "tpu.region"() ({
      %run_scoped3A_39 = tpu.sem_alloc : memref<!tpu.dma_semaphore, #tpu.memory_space<semaphore_mem>>
      %dma_start3A_40 = arith.constant 0 : i32
      %dma_start3A_41 = arith.constant 0 : i32
      %dma_start3A_42 = tpu.memref_slice %arg3[%run_scoped3A, %add3A, %run_scoped3A_3, %dma_start3A_40, %dma_start3A_41] : memref<2x32x2x40x125xi32, #tpu.memory_space<hbm>> -> memref<1x1x1x40x125xi32, #tpu.memory_space<hbm>>
      %dma_start3A_43 = tpu.memref_squeeze %dma_start3A_42 : memref<1x1x1x40x125xi32, #tpu.memory_space<hbm>> -> memref<40x125xi32, #tpu.memory_space<hbm>>
      %dma_start3A_44 = arith.constant 0 : i32
      %dma_start3A_45 = arith.constant 0 : i32
      %dma_start3A_46 = tpu.memref_slice %arg3[%run_scoped3A, %add3A, %run_scoped3A_3, %dma_start3A_44, %dma_start3A_45] : memref<2x32x2x40x125xi32, #tpu.memory_space<hbm>> -> memref<1x1x1x40x125xi32, #tpu.memory_space<hbm>>
      %dma_start3A_47 = tpu.memref_squeeze %dma_start3A_46 : memref<1x1x1x40x125xi32, #tpu.memory_space<hbm>> -> memref<40x125xi32, #tpu.memory_space<hbm>>
      tpu.enqueue_dma source(%dma_start3A_47 : memref<40x125xi32, #tpu.memory_space<hbm>>) target(%arg7 : memref<40x125xi32, #tpu.memory_space<vmem>>) target_semaphore(%run_scoped3A_39 : memref<!tpu.dma_semaphore, #tpu.memory_space<semaphore_mem>>)
      %dma_wait3A = arith.constant 0 : i32
      %dma_wait3A_48 = arith.constant 0 : i32
      %dma_wait3A_49 = tpu.memref_slice %arg3[%run_scoped3A, %add3A, %run_scoped3A_3, %dma_wait3A, %dma_wait3A_48] : memref<2x32x2x40x125xi32, #tpu.memory_space<hbm>> -> memref<1x1x1x40x125xi32, #tpu.memory_space<hbm>>
      %dma_wait3A_50 = tpu.memref_squeeze %dma_wait3A_49 : memref<1x1x1x40x125xi32, #tpu.memory_space<hbm>> -> memref<40x125xi32, #tpu.memory_space<hbm>>
      %dma_wait3A_51 = arith.constant 0 : i32
      %dma_wait3A_52 = arith.constant 0 : i32
      %dma_wait3A_53 = tpu.memref_slice %arg3[%run_scoped3A, %add3A, %run_scoped3A_3, %dma_wait3A_51, %dma_wait3A_52] : memref<2x32x2x40x125xi32, #tpu.memory_space<hbm>> -> memref<1x1x1x40x125xi32, #tpu.memory_space<hbm>>
      %dma_wait3A_54 = tpu.memref_squeeze %dma_wait3A_53 : memref<1x1x1x40x125xi32, #tpu.memory_space<hbm>> -> memref<40x125xi32, #tpu.memory_space<hbm>>
      tpu.wait_dma2 semaphore(%run_scoped3A_39 : memref<!tpu.dma_semaphore, #tpu.memory_space<semaphore_mem>>) src(%dma_wait3A_54 : memref<40x125xi32, #tpu.memory_space<hbm>>) dst(%arg7 : memref<40x125xi32, #tpu.memory_space<vmem>>)
      tpu.yield
    }) : () -> ()
    %run_scoped3A_4 = arith.constant 1 : i32
    %run_scoped3A_5 = arith.constant 0 : i32
    "tpu.region"() ({
      %run_scoped3A_39 = tpu.sem_alloc : memref<!tpu.dma_semaphore, #tpu.memory_space<semaphore_mem>>
      %dma_start3A_40 = arith.constant 0 : i32
      %dma_start3A_41 = arith.constant 0 : i32
      %dma_start3A_42 = tpu.memref_slice %arg3[%run_scoped3A_4, %add3A, %run_scoped3A_5, %dma_start3A_40, %dma_start3A_41] : memref<2x32x2x40x125xi32, #tpu.memory_space<hbm>> -> memref<1x1x1x40x125xi32, #tpu.memory_space<hbm>>
      %dma_start3A_43 = tpu.memref_squeeze %dma_start3A_42 : memref<1x1x1x40x125xi32, #tpu.memory_space<hbm>> -> memref<40x125xi32, #tpu.memory_space<hbm>>
      %dma_start3A_44 = arith.constant 0 : i32
      %dma_start3A_45 = arith.constant 0 : i32
      %dma_start3A_46 = tpu.memref_slice %arg3[%run_scoped3A_4, %add3A, %run_scoped3A_5, %dma_start3A_44, %dma_start3A_45] : memref<2x32x2x40x125xi32, #tpu.memory_space<hbm>> -> memref<1x1x1x40x125xi32, #tpu.memory_space<hbm>>
      %dma_start3A_47 = tpu.memref_squeeze %dma_start3A_46 : memref<1x1x1x40x125xi32, #tpu.memory_space<hbm>> -> memref<40x125xi32, #tpu.memory_space<hbm>>
      tpu.enqueue_dma source(%dma_start3A_47 : memref<40x125xi32, #tpu.memory_space<hbm>>) target(%arg8 : memref<40x125xi32, #tpu.memory_space<vmem>>) target_semaphore(%run_scoped3A_39 : memref<!tpu.dma_semaphore, #tpu.memory_space<semaphore_mem>>)
      %dma_wait3A = arith.constant 0 : i32
      %dma_wait3A_48 = arith.constant 0 : i32
      %dma_wait3A_49 = tpu.memref_slice %arg3[%run_scoped3A_4, %add3A, %run_scoped3A_5, %dma_wait3A, %dma_wait3A_48] : memref<2x32x2x40x125xi32, #tpu.memory_space<hbm>> -> memref<1x1x1x40x125xi32, #tpu.memory_space<hbm>>
      %dma_wait3A_50 = tpu.memref_squeeze %dma_wait3A_49 : memref<1x1x1x40x125xi32, #tpu.memory_space<hbm>> -> memref<40x125xi32, #tpu.memory_space<hbm>>
      %dma_wait3A_51 = arith.constant 0 : i32
      %dma_wait3A_52 = arith.constant 0 : i32
      %dma_wait3A_53 = tpu.memref_slice %arg3[%run_scoped3A_4, %add3A, %run_scoped3A_5, %dma_wait3A_51, %dma_wait3A_52] : memref<2x32x2x40x125xi32, #tpu.memory_space<hbm>> -> memref<1x1x1x40x125xi32, #tpu.memory_space<hbm>>
      %dma_wait3A_54 = tpu.memref_squeeze %dma_wait3A_53 : memref<1x1x1x40x125xi32, #tpu.memory_space<hbm>> -> memref<40x125xi32, #tpu.memory_space<hbm>>
      tpu.wait_dma2 semaphore(%run_scoped3A_39 : memref<!tpu.dma_semaphore, #tpu.memory_space<semaphore_mem>>) src(%dma_wait3A_54 : memref<40x125xi32, #tpu.memory_space<hbm>>) dst(%arg8 : memref<40x125xi32, #tpu.memory_space<vmem>>)
      tpu.yield
    }) : () -> ()
    %dma_start3A = arith.constant 0 : i32
    %dma_start3A_6 = arith.constant 0 : i32
    %dma_start3A_7 = tpu.memref_slice %arg7[%dma_start3A, %dma_start3A_6] : memref<40x125xi32, #tpu.memory_space<vmem>> -> memref<1x125xi32, #tpu.memory_space<vmem>>
    %dma_start3A_8 = tpu.memref_squeeze %dma_start3A_7 : memref<1x125xi32, #tpu.memory_space<vmem>> -> memref<125xi32, #tpu.memory_space<vmem>>
    %dma_start3A_9 = arith.constant 0 : i32
    %dma_start3A_10 = arith.constant 0 : i32
    %dma_start3A_11 = tpu.memref_slice %arg2[%dma_start3A_9, %dma_start3A_10] : memref<10000x128xf32, #tpu.memory_space<hbm>> -> memref<10000x128xf32, #tpu.memory_space<hbm>>
    tpu.enqueue_indirect_dma source(%dma_start3A_11 : memref<10000x128xf32, #tpu.memory_space<hbm>>) target(%arg9 : memref<125x128xf32, #tpu.memory_space<vmem>>) offsets(%dma_start3A_8 : memref<125xi32, #tpu.memory_space<vmem>>) semaphore(%arg11 : memref<!tpu.dma_semaphore, #tpu.memory_space<semaphore_mem>>)
    %scan3A = arith.constant 0 : i32
    %scan3A_12 = arith.constant 0 : i32
    %scan3A_13 = arith.constant 20 : i32
    %scan3A_14 = arith.addi %scan3A_12, %scan3A_13 : i32
    %scan3A_15 = arith.constant 1 : i32
    scf.for %scan3A_39 = %scan3A_12 to %scan3A_14 step %scan3A_15  : i32 {
      %mul3A_40 = arith.constant 2 : i32
      %mul3A_41 = arith.muli %scan3A_39, %mul3A_40 : i32
      %add3A_42 = arith.constant 1 : i32
      %add3A_43 = arith.addi %mul3A_41, %add3A_42 : i32
      %dma_start3A_44 = arith.constant 0 : i32
      %dma_start3A_45 = tpu.memref_slice %arg7[%add3A_43, %dma_start3A_44] : memref<40x125xi32, #tpu.memory_space<vmem>> -> memref<1x125xi32, #tpu.memory_space<vmem>>
      %dma_start3A_46 = tpu.memref_squeeze %dma_start3A_45 : memref<1x125xi32, #tpu.memory_space<vmem>> -> memref<125xi32, #tpu.memory_space<vmem>>
      %dma_start3A_47 = arith.constant 0 : i32
      %dma_start3A_48 = arith.constant 0 : i32
      %dma_start3A_49 = tpu.memref_slice %arg2[%dma_start3A_47, %dma_start3A_48] : memref<10000x128xf32, #tpu.memory_space<hbm>> -> memref<10000x128xf32, #tpu.memory_space<hbm>>
      tpu.enqueue_indirect_dma source(%dma_start3A_49 : memref<10000x128xf32, #tpu.memory_space<hbm>>) target(%arg10 : memref<125x128xf32, #tpu.memory_space<vmem>>) offsets(%dma_start3A_46 : memref<125xi32, #tpu.memory_space<vmem>>) semaphore(%arg12 : memref<!tpu.dma_semaphore, #tpu.memory_space<semaphore_mem>>)
      %dma_wait3A = arith.constant 0 : i32
      %dma_wait3A_50 = tpu.memref_slice %arg7[%mul3A_41, %dma_wait3A] : memref<40x125xi32, #tpu.memory_space<vmem>> -> memref<1x125xi32, #tpu.memory_space<vmem>>
      %dma_wait3A_51 = tpu.memref_squeeze %dma_wait3A_50 : memref<1x125xi32, #tpu.memory_space<vmem>> -> memref<125xi32, #tpu.memory_space<vmem>>
      %dma_wait3A_52 = arith.constant 0 : i32
      %dma_wait3A_53 = arith.constant 0 : i32
      %dma_wait3A_54 = tpu.memref_slice %arg2[%dma_wait3A_52, %dma_wait3A_53] : memref<10000x128xf32, #tpu.memory_space<hbm>> -> memref<10000x128xf32, #tpu.memory_space<hbm>>
      tpu.wait_indirect_dma semaphore(%arg11 : memref<!tpu.dma_semaphore, #tpu.memory_space<semaphore_mem>>) src(%dma_wait3A_54 : memref<10000x128xf32, #tpu.memory_space<hbm>>) dst(%arg9 : memref<125x128xf32, #tpu.memory_space<vmem>>)
      "tpu.region"() ({
        %run_scoped3A_65 = tpu.sem_alloc : memref<!tpu.dma_semaphore, #tpu.memory_space<semaphore_mem>>
        %dma_start3A_66 = arith.constant 0 : i32
        %dma_start3A_67 = tpu.memref_slice %arg8[%mul3A_41, %dma_start3A_66] : memref<40x125xi32, #tpu.memory_space<vmem>> -> memref<1x125xi32, #tpu.memory_space<vmem>>
        %dma_start3A_68 = tpu.memref_squeeze %dma_start3A_67 : memref<1x125xi32, #tpu.memory_space<vmem>> -> memref<125xi32, #tpu.memory_space<vmem>>
        %dma_start3A_69 = arith.constant 0 : i32
        %dma_start3A_70 = arith.constant 0 : i32
        %dma_start3A_71 = tpu.memref_slice %arg6[%dma_start3A_69, %dma_start3A_70] : memref<10112x128xf32, #tpu.memory_space<vmem_shared>> -> memref<10112x128xf32, #tpu.memory_space<vmem_shared>>
        tpu.enqueue_indirect_dma source(%arg9 : memref<125x128xf32, #tpu.memory_space<vmem>>) target(%dma_start3A_71 : memref<10112x128xf32, #tpu.memory_space<vmem_shared>>) offsets(%dma_start3A_68 : memref<125xi32, #tpu.memory_space<vmem>>) semaphore(%run_scoped3A_65 : memref<!tpu.dma_semaphore, #tpu.memory_space<semaphore_mem>>) {add = true}
        %dma_wait3A_72 = arith.constant 0 : i32
        %dma_wait3A_73 = tpu.memref_slice %arg8[%mul3A_41, %dma_wait3A_72] : memref<40x125xi32, #tpu.memory_space<vmem>> -> memref<1x125xi32, #tpu.memory_space<vmem>>
        %dma_wait3A_74 = tpu.memref_squeeze %dma_wait3A_73 : memref<1x125xi32, #tpu.memory_space<vmem>> -> memref<125xi32, #tpu.memory_space<vmem>>
        %dma_wait3A_75 = arith.constant 0 : i32
        %dma_wait3A_76 = arith.constant 0 : i32
        %dma_wait3A_77 = tpu.memref_slice %arg6[%dma_wait3A_75, %dma_wait3A_76] : memref<10112x128xf32, #tpu.memory_space<vmem_shared>> -> memref<10112x128xf32, #tpu.memory_space<vmem_shared>>
        tpu.wait_indirect_dma semaphore(%run_scoped3A_65 : memref<!tpu.dma_semaphore, #tpu.memory_space<semaphore_mem>>) src(%arg9 : memref<125x128xf32, #tpu.memory_space<vmem>>) dst(%dma_wait3A_77 : memref<10112x128xf32, #tpu.memory_space<vmem_shared>>)
        tpu.yield
      }) : () -> ()
      %add3A_55 = arith.constant 2 : i32
      %add3A_56 = arith.addi %mul3A_41, %add3A_55 : i32
      %lt3A = arith.constant 40 : i32
      %lt3A_57 = arith.cmpi slt, %add3A_56, %lt3A : i32
      %convert_element_type3A = arith.extui %lt3A_57 : i1 to i32
      %cond3A = arith.constant 0 : i32
      %cond3A_58 = arith.cmpi ne, %convert_element_type3A, %cond3A : i32
      scf.if %cond3A_58 {
        %add3A_65 = arith.constant 2 : i32
        %add3A_66 = arith.addi %mul3A_41, %add3A_65 : i32
        %dma_start3A_67 = arith.constant 0 : i32
        %dma_start3A_68 = tpu.memref_slice %arg7[%add3A_66, %dma_start3A_67] : memref<40x125xi32, #tpu.memory_space<vmem>> -> memref<1x125xi32, #tpu.memory_space<vmem>>
        %dma_start3A_69 = tpu.memref_squeeze %dma_start3A_68 : memref<1x125xi32, #tpu.memory_space<vmem>> -> memref<125xi32, #tpu.memory_space<vmem>>
        %dma_start3A_70 = arith.constant 0 : i32
        %dma_start3A_71 = arith.constant 0 : i32
        %dma_start3A_72 = tpu.memref_slice %arg2[%dma_start3A_70, %dma_start3A_71] : memref<10000x128xf32, #tpu.memory_space<hbm>> -> memref<10000x128xf32, #tpu.memory_space<hbm>>
        tpu.enqueue_indirect_dma source(%dma_start3A_72 : memref<10000x128xf32, #tpu.memory_space<hbm>>) target(%arg9 : memref<125x128xf32, #tpu.memory_space<vmem>>) offsets(%dma_start3A_69 : memref<125xi32, #tpu.memory_space<vmem>>) semaphore(%arg11 : memref<!tpu.dma_semaphore, #tpu.memory_space<semaphore_mem>>)
      } else {
      }
      %dma_wait3A_59 = arith.constant 0 : i32
      %dma_wait3A_60 = tpu.memref_slice %arg7[%add3A_43, %dma_wait3A_59] : memref<40x125xi32, #tpu.memory_space<vmem>> -> memref<1x125xi32, #tpu.memory_space<vmem>>
      %dma_wait3A_61 = tpu.memref_squeeze %dma_wait3A_60 : memref<1x125xi32, #tpu.memory_space<vmem>> -> memref<125xi32, #tpu.memory_space<vmem>>
      %dma_wait3A_62 = arith.constant 0 : i32
      %dma_wait3A_63 = arith.constant 0 : i32
      %dma_wait3A_64 = tpu.memref_slice %arg2[%dma_wait3A_62, %dma_wait3A_63] : memref<10000x128xf32, #tpu.memory_space<hbm>> -> memref<10000x128xf32, #tpu.memory_space<hbm>>
      tpu.wait_indirect_dma semaphore(%arg12 : memref<!tpu.dma_semaphore, #tpu.memory_space<semaphore_mem>>) src(%dma_wait3A_64 : memref<10000x128xf32, #tpu.memory_space<hbm>>) dst(%arg10 : memref<125x128xf32, #tpu.memory_space<vmem>>)
      "tpu.region"() ({
        %run_scoped3A_65 = tpu.sem_alloc : memref<!tpu.dma_semaphore, #tpu.memory_space<semaphore_mem>>
        %dma_start3A_66 = arith.constant 0 : i32
        %dma_start3A_67 = tpu.memref_slice %arg8[%add3A_43, %dma_start3A_66] : memref<40x125xi32, #tpu.memory_space<vmem>> -> memref<1x125xi32, #tpu.memory_space<vmem>>
        %dma_start3A_68 = tpu.memref_squeeze %dma_start3A_67 : memref<1x125xi32, #tpu.memory_space<vmem>> -> memref<125xi32, #tpu.memory_space<vmem>>
        %dma_start3A_69 = arith.constant 0 : i32
        %dma_start3A_70 = arith.constant 0 : i32
        %dma_start3A_71 = tpu.memref_slice %arg6[%dma_start3A_69, %dma_start3A_70] : memref<10112x128xf32, #tpu.memory_space<vmem_shared>> -> memref<10112x128xf32, #tpu.memory_space<vmem_shared>>
        tpu.enqueue_indirect_dma source(%arg10 : memref<125x128xf32, #tpu.memory_space<vmem>>) target(%dma_start3A_71 : memref<10112x128xf32, #tpu.memory_space<vmem_shared>>) offsets(%dma_start3A_68 : memref<125xi32, #tpu.memory_space<vmem>>) semaphore(%run_scoped3A_65 : memref<!tpu.dma_semaphore, #tpu.memory_space<semaphore_mem>>) {add = true}
        %dma_wait3A_72 = arith.constant 0 : i32
        %dma_wait3A_73 = tpu.memref_slice %arg8[%add3A_43, %dma_wait3A_72] : memref<40x125xi32, #tpu.memory_space<vmem>> -> memref<1x125xi32, #tpu.memory_space<vmem>>
        %dma_wait3A_74 = tpu.memref_squeeze %dma_wait3A_73 : memref<1x125xi32, #tpu.memory_space<vmem>> -> memref<125xi32, #tpu.memory_space<vmem>>
        %dma_wait3A_75 = arith.constant 0 : i32
        %dma_wait3A_76 = arith.constant 0 : i32
        %dma_wait3A_77 = tpu.memref_slice %arg6[%dma_wait3A_75, %dma_wait3A_76] : memref<10112x128xf32, #tpu.memory_space<vmem_shared>> -> memref<10112x128xf32, #tpu.memory_space<vmem_shared>>
        tpu.wait_indirect_dma semaphore(%run_scoped3A_65 : memref<!tpu.dma_semaphore, #tpu.memory_space<semaphore_mem>>) src(%arg10 : memref<125x128xf32, #tpu.memory_space<vmem>>) dst(%dma_wait3A_77 : memref<10112x128xf32, #tpu.memory_space<vmem_shared>>)
        tpu.yield
      }) : () -> ()
    }
    %scan3A_16 = arith.constant 20 : i32
    %run_scoped3A_17 = arith.constant 0 : i32
    %run_scoped3A_18 = arith.constant 1 : i32
    "tpu.region"() ({
      %run_scoped3A_39 = tpu.sem_alloc : memref<!tpu.dma_semaphore, #tpu.memory_space<semaphore_mem>>
      %dma_start3A_40 = arith.constant 0 : i32
      %dma_start3A_41 = arith.constant 0 : i32
      %dma_start3A_42 = tpu.memref_slice %arg3[%run_scoped3A_17, %add3A, %run_scoped3A_18, %dma_start3A_40, %dma_start3A_41] : memref<2x32x2x40x125xi32, #tpu.memory_space<hbm>> -> memref<1x1x1x40x125xi32, #tpu.memory_space<hbm>>
      %dma_start3A_43 = tpu.memref_squeeze %dma_start3A_42 : memref<1x1x1x40x125xi32, #tpu.memory_space<hbm>> -> memref<40x125xi32, #tpu.memory_space<hbm>>
      %dma_start3A_44 = arith.constant 0 : i32
      %dma_start3A_45 = arith.constant 0 : i32
      %dma_start3A_46 = tpu.memref_slice %arg3[%run_scoped3A_17, %add3A, %run_scoped3A_18, %dma_start3A_44, %dma_start3A_45] : memref<2x32x2x40x125xi32, #tpu.memory_space<hbm>> -> memref<1x1x1x40x125xi32, #tpu.memory_space<hbm>>
      %dma_start3A_47 = tpu.memref_squeeze %dma_start3A_46 : memref<1x1x1x40x125xi32, #tpu.memory_space<hbm>> -> memref<40x125xi32, #tpu.memory_space<hbm>>
      tpu.enqueue_dma source(%dma_start3A_47 : memref<40x125xi32, #tpu.memory_space<hbm>>) target(%arg7 : memref<40x125xi32, #tpu.memory_space<vmem>>) target_semaphore(%run_scoped3A_39 : memref<!tpu.dma_semaphore, #tpu.memory_space<semaphore_mem>>)
      %dma_wait3A = arith.constant 0 : i32
      %dma_wait3A_48 = arith.constant 0 : i32
      %dma_wait3A_49 = tpu.memref_slice %arg3[%run_scoped3A_17, %add3A, %run_scoped3A_18, %dma_wait3A, %dma_wait3A_48] : memref<2x32x2x40x125xi32, #tpu.memory_space<hbm>> -> memref<1x1x1x40x125xi32, #tpu.memory_space<hbm>>
      %dma_wait3A_50 = tpu.memref_squeeze %dma_wait3A_49 : memref<1x1x1x40x125xi32, #tpu.memory_space<hbm>> -> memref<40x125xi32, #tpu.memory_space<hbm>>
      %dma_wait3A_51 = arith.constant 0 : i32
      %dma_wait3A_52 = arith.constant 0 : i32
      %dma_wait3A_53 = tpu.memref_slice %arg3[%run_scoped3A_17, %add3A, %run_scoped3A_18, %dma_wait3A_51, %dma_wait3A_52] : memref<2x32x2x40x125xi32, #tpu.memory_space<hbm>> -> memref<1x1x1x40x125xi32, #tpu.memory_space<hbm>>
      %dma_wait3A_54 = tpu.memref_squeeze %dma_wait3A_53 : memref<1x1x1x40x125xi32, #tpu.memory_space<hbm>> -> memref<40x125xi32, #tpu.memory_space<hbm>>
      tpu.wait_dma2 semaphore(%run_scoped3A_39 : memref<!tpu.dma_semaphore, #tpu.memory_space<semaphore_mem>>) src(%dma_wait3A_54 : memref<40x125xi32, #tpu.memory_space<hbm>>) dst(%arg7 : memref<40x125xi32, #tpu.memory_space<vmem>>)
      tpu.yield
    }) : () -> ()
    %run_scoped3A_19 = arith.constant 1 : i32
    %run_scoped3A_20 = arith.constant 1 : i32
    "tpu.region"() ({
      %run_scoped3A_39 = tpu.sem_alloc : memref<!tpu.dma_semaphore, #tpu.memory_space<semaphore_mem>>
      %dma_start3A_40 = arith.constant 0 : i32
      %dma_start3A_41 = arith.constant 0 : i32
      %dma_start3A_42 = tpu.memref_slice %arg3[%run_scoped3A_19, %add3A, %run_scoped3A_20, %dma_start3A_40, %dma_start3A_41] : memref<2x32x2x40x125xi32, #tpu.memory_space<hbm>> -> memref<1x1x1x40x125xi32, #tpu.memory_space<hbm>>
      %dma_start3A_43 = tpu.memref_squeeze %dma_start3A_42 : memref<1x1x1x40x125xi32, #tpu.memory_space<hbm>> -> memref<40x125xi32, #tpu.memory_space<hbm>>
      %dma_start3A_44 = arith.constant 0 : i32
      %dma_start3A_45 = arith.constant 0 : i32
      %dma_start3A_46 = tpu.memref_slice %arg3[%run_scoped3A_19, %add3A, %run_scoped3A_20, %dma_start3A_44, %dma_start3A_45] : memref<2x32x2x40x125xi32, #tpu.memory_space<hbm>> -> memref<1x1x1x40x125xi32, #tpu.memory_space<hbm>>
      %dma_start3A_47 = tpu.memref_squeeze %dma_start3A_46 : memref<1x1x1x40x125xi32, #tpu.memory_space<hbm>> -> memref<40x125xi32, #tpu.memory_space<hbm>>
      tpu.enqueue_dma source(%dma_start3A_47 : memref<40x125xi32, #tpu.memory_space<hbm>>) target(%arg8 : memref<40x125xi32, #tpu.memory_space<vmem>>) target_semaphore(%run_scoped3A_39 : memref<!tpu.dma_semaphore, #tpu.memory_space<semaphore_mem>>)
      %dma_wait3A = arith.constant 0 : i32
      %dma_wait3A_48 = arith.constant 0 : i32
      %dma_wait3A_49 = tpu.memref_slice %arg3[%run_scoped3A_19, %add3A, %run_scoped3A_20, %dma_wait3A, %dma_wait3A_48] : memref<2x32x2x40x125xi32, #tpu.memory_space<hbm>> -> memref<1x1x1x40x125xi32, #tpu.memory_space<hbm>>
      %dma_wait3A_50 = tpu.memref_squeeze %dma_wait3A_49 : memref<1x1x1x40x125xi32, #tpu.memory_space<hbm>> -> memref<40x125xi32, #tpu.memory_space<hbm>>
      %dma_wait3A_51 = arith.constant 0 : i32
      %dma_wait3A_52 = arith.constant 0 : i32
      %dma_wait3A_53 = tpu.memref_slice %arg3[%run_scoped3A_19, %add3A, %run_scoped3A_20, %dma_wait3A_51, %dma_wait3A_52] : memref<2x32x2x40x125xi32, #tpu.memory_space<hbm>> -> memref<1x1x1x40x125xi32, #tpu.memory_space<hbm>>
      %dma_wait3A_54 = tpu.memref_squeeze %dma_wait3A_53 : memref<1x1x1x40x125xi32, #tpu.memory_space<hbm>> -> memref<40x125xi32, #tpu.memory_space<hbm>>
      tpu.wait_dma2 semaphore(%run_scoped3A_39 : memref<!tpu.dma_semaphore, #tpu.memory_space<semaphore_mem>>) src(%dma_wait3A_54 : memref<40x125xi32, #tpu.memory_space<hbm>>) dst(%arg8 : memref<40x125xi32, #tpu.memory_space<vmem>>)
      tpu.yield
    }) : () -> ()
    %dma_start3A_21 = arith.constant 0 : i32
    %dma_start3A_22 = arith.constant 0 : i32
    %dma_start3A_23 = tpu.memref_slice %arg7[%dma_start3A_21, %dma_start3A_22] : memref<40x125xi32, #tpu.memory_space<vmem>> -> memref<1x125xi32, #tpu.memory_space<vmem>>
    %dma_start3A_24 = tpu.memref_squeeze %dma_start3A_23 : memref<1x125xi32, #tpu.memory_space<vmem>> -> memref<125xi32, #tpu.memory_space<vmem>>
    %dma_start3A_25 = arith.constant 0 : i32
    %dma_start3A_26 = arith.constant 0 : i32
    %dma_start3A_27 = tpu.memref_slice %arg2[%dma_start3A_25, %dma_start3A_26] : memref<10000x128xf32, #tpu.memory_space<hbm>> -> memref<10000x128xf32, #tpu.memory_space<hbm>>
    tpu.enqueue_indirect_dma source(%dma_start3A_27 : memref<10000x128xf32, #tpu.memory_space<hbm>>) target(%arg9 : memref<125x128xf32, #tpu.memory_space<vmem>>) offsets(%dma_start3A_24 : memref<125xi32, #tpu.memory_space<vmem>>) semaphore(%arg11 : memref<!tpu.dma_semaphore, #tpu.memory_space<semaphore_mem>>)
    %scan3A_28 = arith.constant 0 : i32
    %scan3A_29 = arith.constant 0 : i32
    %scan3A_30 = arith.constant 20 : i32
    %scan3A_31 = arith.addi %scan3A_29, %scan3A_30 : i32
    %scan3A_32 = arith.constant 1 : i32
    scf.for %scan3A_39 = %scan3A_29 to %scan3A_31 step %scan3A_32  : i32 {
      %mul3A_40 = arith.constant 2 : i32
      %mul3A_41 = arith.muli %scan3A_39, %mul3A_40 : i32
      %add3A_42 = arith.constant 1 : i32
      %add3A_43 = arith.addi %mul3A_41, %add3A_42 : i32
      %dma_start3A_44 = arith.constant 0 : i32
      %dma_start3A_45 = tpu.memref_slice %arg7[%add3A_43, %dma_start3A_44] : memref<40x125xi32, #tpu.memory_space<vmem>> -> memref<1x125xi32, #tpu.memory_space<vmem>>
      %dma_start3A_46 = tpu.memref_squeeze %dma_start3A_45 : memref<1x125xi32, #tpu.memory_space<vmem>> -> memref<125xi32, #tpu.memory_space<vmem>>
      %dma_start3A_47 = arith.constant 0 : i32
      %dma_start3A_48 = arith.constant 0 : i32
      %dma_start3A_49 = tpu.memref_slice %arg2[%dma_start3A_47, %dma_start3A_48] : memref<10000x128xf32, #tpu.memory_space<hbm>> -> memref<10000x128xf32, #tpu.memory_space<hbm>>
      tpu.enqueue_indirect_dma source(%dma_start3A_49 : memref<10000x128xf32, #tpu.memory_space<hbm>>) target(%arg10 : memref<125x128xf32, #tpu.memory_space<vmem>>) offsets(%dma_start3A_46 : memref<125xi32, #tpu.memory_space<vmem>>) semaphore(%arg12 : memref<!tpu.dma_semaphore, #tpu.memory_space<semaphore_mem>>)
      %dma_wait3A = arith.constant 0 : i32
      %dma_wait3A_50 = tpu.memref_slice %arg7[%mul3A_41, %dma_wait3A] : memref<40x125xi32, #tpu.memory_space<vmem>> -> memref<1x125xi32, #tpu.memory_space<vmem>>
      %dma_wait3A_51 = tpu.memref_squeeze %dma_wait3A_50 : memref<1x125xi32, #tpu.memory_space<vmem>> -> memref<125xi32, #tpu.memory_space<vmem>>
      %dma_wait3A_52 = arith.constant 0 : i32
      %dma_wait3A_53 = arith.constant 0 : i32
      %dma_wait3A_54 = tpu.memref_slice %arg2[%dma_wait3A_52, %dma_wait3A_53] : memref<10000x128xf32, #tpu.memory_space<hbm>> -> memref<10000x128xf32, #tpu.memory_space<hbm>>
      tpu.wait_indirect_dma semaphore(%arg11 : memref<!tpu.dma_semaphore, #tpu.memory_space<semaphore_mem>>) src(%dma_wait3A_54 : memref<10000x128xf32, #tpu.memory_space<hbm>>) dst(%arg9 : memref<125x128xf32, #tpu.memory_space<vmem>>)
      "tpu.region"() ({
        %run_scoped3A_65 = tpu.sem_alloc : memref<!tpu.dma_semaphore, #tpu.memory_space<semaphore_mem>>
        %dma_start3A_66 = arith.constant 0 : i32
        %dma_start3A_67 = tpu.memref_slice %arg8[%mul3A_41, %dma_start3A_66] : memref<40x125xi32, #tpu.memory_space<vmem>> -> memref<1x125xi32, #tpu.memory_space<vmem>>
        %dma_start3A_68 = tpu.memref_squeeze %dma_start3A_67 : memref<1x125xi32, #tpu.memory_space<vmem>> -> memref<125xi32, #tpu.memory_space<vmem>>
        %dma_start3A_69 = arith.constant 0 : i32
        %dma_start3A_70 = arith.constant 0 : i32
        %dma_start3A_71 = tpu.memref_slice %arg6[%dma_start3A_69, %dma_start3A_70] : memref<10112x128xf32, #tpu.memory_space<vmem_shared>> -> memref<10112x128xf32, #tpu.memory_space<vmem_shared>>
        tpu.enqueue_indirect_dma source(%arg9 : memref<125x128xf32, #tpu.memory_space<vmem>>) target(%dma_start3A_71 : memref<10112x128xf32, #tpu.memory_space<vmem_shared>>) offsets(%dma_start3A_68 : memref<125xi32, #tpu.memory_space<vmem>>) semaphore(%run_scoped3A_65 : memref<!tpu.dma_semaphore, #tpu.memory_space<semaphore_mem>>) {add = true}
        %dma_wait3A_72 = arith.constant 0 : i32
        %dma_wait3A_73 = tpu.memref_slice %arg8[%mul3A_41, %dma_wait3A_72] : memref<40x125xi32, #tpu.memory_space<vmem>> -> memref<1x125xi32, #tpu.memory_space<vmem>>
        %dma_wait3A_74 = tpu.memref_squeeze %dma_wait3A_73 : memref<1x125xi32, #tpu.memory_space<vmem>> -> memref<125xi32, #tpu.memory_space<vmem>>
        %dma_wait3A_75 = arith.constant 0 : i32
        %dma_wait3A_76 = arith.constant 0 : i32
        %dma_wait3A_77 = tpu.memref_slice %arg6[%dma_wait3A_75, %dma_wait3A_76] : memref<10112x128xf32, #tpu.memory_space<vmem_shared>> -> memref<10112x128xf32, #tpu.memory_space<vmem_shared>>
        tpu.wait_indirect_dma semaphore(%run_scoped3A_65 : memref<!tpu.dma_semaphore, #tpu.memory_space<semaphore_mem>>) src(%arg9 : memref<125x128xf32, #tpu.memory_space<vmem>>) dst(%dma_wait3A_77 : memref<10112x128xf32, #tpu.memory_space<vmem_shared>>)
        tpu.yield
      }) : () -> ()
      %add3A_55 = arith.constant 2 : i32
      %add3A_56 = arith.addi %mul3A_41, %add3A_55 : i32
      %lt3A = arith.constant 40 : i32
      %lt3A_57 = arith.cmpi slt, %add3A_56, %lt3A : i32
      %convert_element_type3A = arith.extui %lt3A_57 : i1 to i32
      %cond3A = arith.constant 0 : i32
      %cond3A_58 = arith.cmpi ne, %convert_element_type3A, %cond3A : i32
      scf.if %cond3A_58 {
        %add3A_65 = arith.constant 2 : i32
        %add3A_66 = arith.addi %mul3A_41, %add3A_65 : i32
        %dma_start3A_67 = arith.constant 0 : i32
        %dma_start3A_68 = tpu.memref_slice %arg7[%add3A_66, %dma_start3A_67] : memref<40x125xi32, #tpu.memory_space<vmem>> -> memref<1x125xi32, #tpu.memory_space<vmem>>
        %dma_start3A_69 = tpu.memref_squeeze %dma_start3A_68 : memref<1x125xi32, #tpu.memory_space<vmem>> -> memref<125xi32, #tpu.memory_space<vmem>>
        %dma_start3A_70 = arith.constant 0 : i32
        %dma_start3A_71 = arith.constant 0 : i32
        %dma_start3A_72 = tpu.memref_slice %arg2[%dma_start3A_70, %dma_start3A_71] : memref<10000x128xf32, #tpu.memory_space<hbm>> -> memref<10000x128xf32, #tpu.memory_space<hbm>>
        tpu.enqueue_indirect_dma source(%dma_start3A_72 : memref<10000x128xf32, #tpu.memory_space<hbm>>) target(%arg9 : memref<125x128xf32, #tpu.memory_space<vmem>>) offsets(%dma_start3A_69 : memref<125xi32, #tpu.memory_space<vmem>>) semaphore(%arg11 : memref<!tpu.dma_semaphore, #tpu.memory_space<semaphore_mem>>)
      } else {
      }
      %dma_wait3A_59 = arith.constant 0 : i32
      %dma_wait3A_60 = tpu.memref_slice %arg7[%add3A_43, %dma_wait3A_59] : memref<40x125xi32, #tpu.memory_space<vmem>> -> memref<1x125xi32, #tpu.memory_space<vmem>>
      %dma_wait3A_61 = tpu.memref_squeeze %dma_wait3A_60 : memref<1x125xi32, #tpu.memory_space<vmem>> -> memref<125xi32, #tpu.memory_space<vmem>>
      %dma_wait3A_62 = arith.constant 0 : i32
      %dma_wait3A_63 = arith.constant 0 : i32
      %dma_wait3A_64 = tpu.memref_slice %arg2[%dma_wait3A_62, %dma_wait3A_63] : memref<10000x128xf32, #tpu.memory_space<hbm>> -> memref<10000x128xf32, #tpu.memory_space<hbm>>
      tpu.wait_indirect_dma semaphore(%arg12 : memref<!tpu.dma_semaphore, #tpu.memory_space<semaphore_mem>>) src(%dma_wait3A_64 : memref<10000x128xf32, #tpu.memory_space<hbm>>) dst(%arg10 : memref<125x128xf32, #tpu.memory_space<vmem>>)
      "tpu.region"() ({
        %run_scoped3A_65 = tpu.sem_alloc : memref<!tpu.dma_semaphore, #tpu.memory_space<semaphore_mem>>
        %dma_start3A_66 = arith.constant 0 : i32
        %dma_start3A_67 = tpu.memref_slice %arg8[%add3A_43, %dma_start3A_66] : memref<40x125xi32, #tpu.memory_space<vmem>> -> memref<1x125xi32, #tpu.memory_space<vmem>>
        %dma_start3A_68 = tpu.memref_squeeze %dma_start3A_67 : memref<1x125xi32, #tpu.memory_space<vmem>> -> memref<125xi32, #tpu.memory_space<vmem>>
        %dma_start3A_69 = arith.constant 0 : i32
        %dma_start3A_70 = arith.constant 0 : i32
        %dma_start3A_71 = tpu.memref_slice %arg6[%dma_start3A_69, %dma_start3A_70] : memref<10112x128xf32, #tpu.memory_space<vmem_shared>> -> memref<10112x128xf32, #tpu.memory_space<vmem_shared>>
        tpu.enqueue_indirect_dma source(%arg10 : memref<125x128xf32, #tpu.memory_space<vmem>>) target(%dma_start3A_71 : memref<10112x128xf32, #tpu.memory_space<vmem_shared>>) offsets(%dma_start3A_68 : memref<125xi32, #tpu.memory_space<vmem>>) semaphore(%run_scoped3A_65 : memref<!tpu.dma_semaphore, #tpu.memory_space<semaphore_mem>>) {add = true}
        %dma_wait3A_72 = arith.constant 0 : i32
        %dma_wait3A_73 = tpu.memref_slice %arg8[%add3A_43, %dma_wait3A_72] : memref<40x125xi32, #tpu.memory_space<vmem>> -> memref<1x125xi32, #tpu.memory_space<vmem>>
        %dma_wait3A_74 = tpu.memref_squeeze %dma_wait3A_73 : memref<1x125xi32, #tpu.memory_space<vmem>> -> memref<125xi32, #tpu.memory_space<vmem>>
        %dma_wait3A_75 = arith.constant 0 : i32
        %dma_wait3A_76 = arith.constant 0 : i32
        %dma_wait3A_77 = tpu.memref_slice %arg6[%dma_wait3A_75, %dma_wait3A_76] : memref<10112x128xf32, #tpu.memory_space<vmem_shared>> -> memref<10112x128xf32, #tpu.memory_space<vmem_shared>>
        tpu.wait_indirect_dma semaphore(%run_scoped3A_65 : memref<!tpu.dma_semaphore, #tpu.memory_space<semaphore_mem>>) src(%arg10 : memref<125x128xf32, #tpu.memory_space<vmem>>) dst(%dma_wait3A_77 : memref<10112x128xf32, #tpu.memory_space<vmem_shared>>)
        tpu.yield
      }) : () -> ()
    }
    %scan3A_33 = arith.constant 20 : i32
    %barrier3A_34 = arith.constant 0 : index
    tpu.barrier barrier_id(%barrier3A_34)
    %mul3A_35 = arith.constant 632 : i32
    %mul3A_36 = arith.muli %arg1, %mul3A_35 : i32
    %mul3A_37 = arith.constant 632 : i32
    %mul3A_38 = arith.muli %arg1, %mul3A_37 : i32
    "tpu.region"() ({
      %run_scoped3A_39 = tpu.sem_alloc : memref<!tpu.dma_semaphore, #tpu.memory_space<semaphore_mem>>
      %dma_start3A_40 = arith.constant 0 : i32
      %dma_start3A_41 = tpu.memref_slice %arg5[%arg0, %mul3A_38, %dma_start3A_40] : memref<2x10112x128xf32, #tpu.memory_space<hbm>> -> memref<1x632x128xf32, #tpu.memory_space<hbm>>
      %dma_start3A_42 = tpu.memref_squeeze %dma_start3A_41 : memref<1x632x128xf32, #tpu.memory_space<hbm>> -> memref<632x128xf32, #tpu.memory_space<hbm>>
      %dma_start3A_43 = arith.constant 0 : i32
      %dma_start3A_44 = tpu.memref_slice %arg6[%mul3A_36, %dma_start3A_43] : memref<10112x128xf32, #tpu.memory_space<vmem_shared>> -> memref<632x128xf32, #tpu.memory_space<vmem_shared>>
      tpu.enqueue_dma source(%dma_start3A_44 : memref<632x128xf32, #tpu.memory_space<vmem_shared>>) target(%dma_start3A_42 : memref<632x128xf32, #tpu.memory_space<hbm>>) target_semaphore(%run_scoped3A_39 : memref<!tpu.dma_semaphore, #tpu.memory_space<semaphore_mem>>)
      %dma_wait3A = arith.constant 0 : i32
      %dma_wait3A_45 = tpu.memref_slice %arg5[%arg0, %mul3A_38, %dma_wait3A] : memref<2x10112x128xf32, #tpu.memory_space<hbm>> -> memref<1x632x128xf32, #tpu.memory_space<hbm>>
      %dma_wait3A_46 = tpu.memref_squeeze %dma_wait3A_45 : memref<1x632x128xf32, #tpu.memory_space<hbm>> -> memref<632x128xf32, #tpu.memory_space<hbm>>
      %dma_wait3A_47 = arith.constant 0 : i32
      %dma_wait3A_48 = tpu.memref_slice %arg6[%mul3A_36, %dma_wait3A_47] : memref<10112x128xf32, #tpu.memory_space<vmem_shared>> -> memref<632x128xf32, #tpu.memory_space<vmem_shared>>
      tpu.wait_dma2 semaphore(%run_scoped3A_39 : memref<!tpu.dma_semaphore, #tpu.memory_space<semaphore_mem>>) src(%dma_wait3A_48 : memref<632x128xf32, #tpu.memory_space<vmem_shared>>) dst(%dma_wait3A_46 : memref<632x128xf32, #tpu.memory_space<hbm>>)
      tpu.yield
    }) : () -> ()
    return
  }
}

#map = affine_map<(d0, d1) -> (0, 0)>
#map1 = affine_map<(d0, d1) -> (0, 0, 0, 0, 0)>
#map2 = affine_map<(d0, d1) -> (0, 0, 0)>
module attributes {stable_mosaic.version = 14 : i64} {
  func.func @_prop_body(%arg0: i32, %arg1: i32, %arg2: memref<10000x128xf32, #tpu.memory_space<hbm>>, %arg3: memref<2x32x2x40x125xi32, #tpu.memory_space<hbm>>, %arg4: memref<632x128xf32, #tpu.memory_space<hbm>>, %arg5: memref<2x10112x128xf32, #tpu.memory_space<hbm>>, %arg6: memref<10112x128xf32, #tpu.memory_space<vmem_shared>>, %arg7: memref<40x125xi32, #tpu.memory_space<vmem>>, %arg8: memref<40x125xi32, #tpu.memory_space<vmem>>, %arg9: memref<125x128xf32, #tpu.memory_space<vmem>>, %arg10: memref<125x128xf32, #tpu.memory_space<vmem>>, %arg11: memref<!tpu.dma_semaphore, #tpu.memory_space<semaphore_mem>>, %arg12: memref<!tpu.dma_semaphore, #tpu.memory_space<semaphore_mem>>) attributes {dimension_semantics = [#tpu.dimension_semantics<core_parallel>, #tpu.dimension_semantics<subcore_parallel>], iteration_bounds = array<i64: 2, 16>, scalar_prefetch = 0 : i64, scratch_operands = 7 : i64, tpu.core_type = #tpu.core_type<sc_vector_subcore>, window_params = [{transform_indices = #map}, {transform_indices = #map1}, {transform_indices = #map}, {transform_indices = #map2}]} {
    %mul3A = arith.constant 16 : i32
    %mul3A_0 = arith.muli %arg0, %mul3A : i32
    %add3A = arith.addi %mul3A_0, %arg1 : i32
    %mul3A_1 = arith.constant 632 : i32
    %mul3A_2 = arith.muli %arg1, %mul3A_1 : i32
    "tpu.region"() ({
      %run_scoped3A_39 = tpu.sem_alloc : memref<!tpu.dma_semaphore, #tpu.memory_space<semaphore_mem>>
      %dma_start3A_40 = arith.constant 0 : i32
      %dma_start3A_41 = tpu.memref_slice %arg6[%mul3A_2, %dma_start3A_40] : memref<10112x128xf32, #tpu.memory_space<vmem_shared>> -> memref<632x128xf32, #tpu.memory_space<vmem_shared>>
      tpu.enqueue_dma source(%arg4 : memref<632x128xf32, #tpu.memory_space<hbm>>) target(%dma_start3A_41 : memref<632x128xf32, #tpu.memory_space<vmem_shared>>) target_semaphore(%run_scoped3A_39 : memref<!tpu.dma_semaphore, #tpu.memory_space<semaphore_mem>>)
      %dma_wait3A = arith.constant 0 : i32
      %dma_wait3A_42 = tpu.memref_slice %arg6[%mul3A_2, %dma_wait3A] : memref<10112x128xf32, #tpu.memory_space<vmem_shared>> -> memref<632x128xf32, #tpu.memory_space<vmem_shared>>
      tpu.wait_dma2 semaphore(%run_scoped3A_39 : memref<!tpu.dma_semaphore, #tpu.memory_space<semaphore_mem>>) src(%arg4 : memref<632x128xf32, #tpu.memory_space<hbm>>) dst(%dma_wait3A_42 : memref<632x128xf32, #tpu.memory_space<vmem_shared>>)
      tpu.yield
    }) : () -> ()
    %barrier3A = arith.constant 0 : index
    tpu.barrier barrier_id(%barrier3A)
    %run_scoped3A = arith.constant 0 : i32
    %run_scoped3A_3 = arith.constant 0 : i32
    "tpu.region"() ({
      %run_scoped3A_39 = tpu.sem_alloc : memref<!tpu.dma_semaphore, #tpu.memory_space<semaphore_mem>>
      %dma_start3A_40 = arith.constant 0 : i32
      %dma_start3A_41 = arith.constant 0 : i32
      %dma_start3A_42 = tpu.memref_slice %arg3[%run_scoped3A, %add3A, %run_scoped3A_3, %dma_start3A_40, %dma_start3A_41] : memref<2x32x2x40x125xi32, #tpu.memory_space<hbm>> -> memref<1x1x1x40x125xi32, #tpu.memory_space<hbm>>
      %dma_start3A_43 = tpu.memref_squeeze %dma_start3A_42 : memref<1x1x1x40x125xi32, #tpu.memory_space<hbm>> -> memref<40x125xi32, #tpu.memory_space<hbm>>
      %dma_start3A_44 = arith.constant 0 : i32
      %dma_start3A_45 = arith.constant 0 : i32
      %dma_start3A_46 = tpu.memref_slice %arg3[%run_scoped3A, %add3A, %run_scoped3A_3, %dma_start3A_44, %dma_start3A_45] : memref<2x32x2x40x125xi32, #tpu.memory_space<hbm>> -> memref<1x1x1x40x125xi32, #tpu.memory_space<hbm>>
      %dma_start3A_47 = tpu.memref_squeeze %dma_start3A_46 : memref<1x1x1x40x125xi32, #tpu.memory_space<hbm>> -> memref<40x125xi32, #tpu.memory_space<hbm>>
      tpu.enqueue_dma source(%dma_start3A_47 : memref<40x125xi32, #tpu.memory_space<hbm>>) target(%arg7 : memref<40x125xi32, #tpu.memory_space<vmem>>) target_semaphore(%run_scoped3A_39 : memref<!tpu.dma_semaphore, #tpu.memory_space<semaphore_mem>>)
      %dma_wait3A = arith.constant 0 : i32
      %dma_wait3A_48 = arith.constant 0 : i32
      %dma_wait3A_49 = tpu.memref_slice %arg3[%run_scoped3A, %add3A, %run_scoped3A_3, %dma_wait3A, %dma_wait3A_48] : memref<2x32x2x40x125xi32, #tpu.memory_space<hbm>> -> memref<1x1x1x40x125xi32, #tpu.memory_space<hbm>>
      %dma_wait3A_50 = tpu.memref_squeeze %dma_wait3A_49 : memref<1x1x1x40x125xi32, #tpu.memory_space<hbm>> -> memref<40x125xi32, #tpu.memory_space<hbm>>
      %dma_wait3A_51 = arith.constant 0 : i32
      %dma_wait3A_52 = arith.constant 0 : i32
      %dma_wait3A_53 = tpu.memref_slice %arg3[%run_scoped3A, %add3A, %run_scoped3A_3, %dma_wait3A_51, %dma_wait3A_52] : memref<2x32x2x40x125xi32, #tpu.memory_space<hbm>> -> memref<1x1x1x40x125xi32, #tpu.memory_space<hbm>>
      %dma_wait3A_54 = tpu.memref_squeeze %dma_wait3A_53 : memref<1x1x1x40x125xi32, #tpu.memory_space<hbm>> -> memref<40x125xi32, #tpu.memory_space<hbm>>
      tpu.wait_dma2 semaphore(%run_scoped3A_39 : memref<!tpu.dma_semaphore, #tpu.memory_space<semaphore_mem>>) src(%dma_wait3A_54 : memref<40x125xi32, #tpu.memory_space<hbm>>) dst(%arg7 : memref<40x125xi32, #tpu.memory_space<vmem>>)
      tpu.yield
    }) : () -> ()
    %run_scoped3A_4 = arith.constant 1 : i32
    %run_scoped3A_5 = arith.constant 0 : i32
    "tpu.region"() ({
      %run_scoped3A_39 = tpu.sem_alloc : memref<!tpu.dma_semaphore, #tpu.memory_space<semaphore_mem>>
      %dma_start3A_40 = arith.constant 0 : i32
      %dma_start3A_41 = arith.constant 0 : i32
      %dma_start3A_42 = tpu.memref_slice %arg3[%run_scoped3A_4, %add3A, %run_scoped3A_5, %dma_start3A_40, %dma_start3A_41] : memref<2x32x2x40x125xi32, #tpu.memory_space<hbm>> -> memref<1x1x1x40x125xi32, #tpu.memory_space<hbm>>
      %dma_start3A_43 = tpu.memref_squeeze %dma_start3A_42 : memref<1x1x1x40x125xi32, #tpu.memory_space<hbm>> -> memref<40x125xi32, #tpu.memory_space<hbm>>
      %dma_start3A_44 = arith.constant 0 : i32
      %dma_start3A_45 = arith.constant 0 : i32
      %dma_start3A_46 = tpu.memref_slice %arg3[%run_scoped3A_4, %add3A, %run_scoped3A_5, %dma_start3A_44, %dma_start3A_45] : memref<2x32x2x40x125xi32, #tpu.memory_space<hbm>> -> memref<1x1x1x40x125xi32, #tpu.memory_space<hbm>>
      %dma_start3A_47 = tpu.memref_squeeze %dma_start3A_46 : memref<1x1x1x40x125xi32, #tpu.memory_space<hbm>> -> memref<40x125xi32, #tpu.memory_space<hbm>>
      tpu.enqueue_dma source(%dma_start3A_47 : memref<40x125xi32, #tpu.memory_space<hbm>>) target(%arg8 : memref<40x125xi32, #tpu.memory_space<vmem>>) target_semaphore(%run_scoped3A_39 : memref<!tpu.dma_semaphore, #tpu.memory_space<semaphore_mem>>)
      %dma_wait3A = arith.constant 0 : i32
      %dma_wait3A_48 = arith.constant 0 : i32
      %dma_wait3A_49 = tpu.memref_slice %arg3[%run_scoped3A_4, %add3A, %run_scoped3A_5, %dma_wait3A, %dma_wait3A_48] : memref<2x32x2x40x125xi32, #tpu.memory_space<hbm>> -> memref<1x1x1x40x125xi32, #tpu.memory_space<hbm>>
      %dma_wait3A_50 = tpu.memref_squeeze %dma_wait3A_49 : memref<1x1x1x40x125xi32, #tpu.memory_space<hbm>> -> memref<40x125xi32, #tpu.memory_space<hbm>>
      %dma_wait3A_51 = arith.constant 0 : i32
      %dma_wait3A_52 = arith.constant 0 : i32
      %dma_wait3A_53 = tpu.memref_slice %arg3[%run_scoped3A_4, %add3A, %run_scoped3A_5, %dma_wait3A_51, %dma_wait3A_52] : memref<2x32x2x40x125xi32, #tpu.memory_space<hbm>> -> memref<1x1x1x40x125xi32, #tpu.memory_space<hbm>>
      %dma_wait3A_54 = tpu.memref_squeeze %dma_wait3A_53 : memref<1x1x1x40x125xi32, #tpu.memory_space<hbm>> -> memref<40x125xi32, #tpu.memory_space<hbm>>
      tpu.wait_dma2 semaphore(%run_scoped3A_39 : memref<!tpu.dma_semaphore, #tpu.memory_space<semaphore_mem>>) src(%dma_wait3A_54 : memref<40x125xi32, #tpu.memory_space<hbm>>) dst(%arg8 : memref<40x125xi32, #tpu.memory_space<vmem>>)
      tpu.yield
    }) : () -> ()
    %dma_start3A = arith.constant 0 : i32
    %dma_start3A_6 = arith.constant 0 : i32
    %dma_start3A_7 = tpu.memref_slice %arg7[%dma_start3A, %dma_start3A_6] : memref<40x125xi32, #tpu.memory_space<vmem>> -> memref<1x125xi32, #tpu.memory_space<vmem>>
    %dma_start3A_8 = tpu.memref_squeeze %dma_start3A_7 : memref<1x125xi32, #tpu.memory_space<vmem>> -> memref<125xi32, #tpu.memory_space<vmem>>
    %dma_start3A_9 = arith.constant 0 : i32
    %dma_start3A_10 = arith.constant 0 : i32
    %dma_start3A_11 = tpu.memref_slice %arg2[%dma_start3A_9, %dma_start3A_10] : memref<10000x128xf32, #tpu.memory_space<hbm>> -> memref<10000x128xf32, #tpu.memory_space<hbm>>
    tpu.enqueue_indirect_dma source(%dma_start3A_11 : memref<10000x128xf32, #tpu.memory_space<hbm>>) target(%arg9 : memref<125x128xf32, #tpu.memory_space<vmem>>) offsets(%dma_start3A_8 : memref<125xi32, #tpu.memory_space<vmem>>) semaphore(%arg11 : memref<!tpu.dma_semaphore, #tpu.memory_space<semaphore_mem>>)
    %scan3A = arith.constant 0 : i32
    %scan3A_12 = arith.constant 0 : i32
    %scan3A_13 = arith.constant 20 : i32
    %scan3A_14 = arith.addi %scan3A_12, %scan3A_13 : i32
    %scan3A_15 = arith.constant 1 : i32
    scf.for %scan3A_39 = %scan3A_12 to %scan3A_14 step %scan3A_15  : i32 {
      %mul3A_40 = arith.constant 2 : i32
      %mul3A_41 = arith.muli %scan3A_39, %mul3A_40 : i32
      %add3A_42 = arith.constant 1 : i32
      %add3A_43 = arith.addi %mul3A_41, %add3A_42 : i32
      %dma_start3A_44 = arith.constant 0 : i32
      %dma_start3A_45 = tpu.memref_slice %arg7[%add3A_43, %dma_start3A_44] : memref<40x125xi32, #tpu.memory_space<vmem>> -> memref<1x125xi32, #tpu.memory_space<vmem>>
      %dma_start3A_46 = tpu.memref_squeeze %dma_start3A_45 : memref<1x125xi32, #tpu.memory_space<vmem>> -> memref<125xi32, #tpu.memory_space<vmem>>
      %dma_start3A_47 = arith.constant 0 : i32
      %dma_start3A_48 = arith.constant 0 : i32
      %dma_start3A_49 = tpu.memref_slice %arg2[%dma_start3A_47, %dma_start3A_48] : memref<10000x128xf32, #tpu.memory_space<hbm>> -> memref<10000x128xf32, #tpu.memory_space<hbm>>
      tpu.enqueue_indirect_dma source(%dma_start3A_49 : memref<10000x128xf32, #tpu.memory_space<hbm>>) target(%arg10 : memref<125x128xf32, #tpu.memory_space<vmem>>) offsets(%dma_start3A_46 : memref<125xi32, #tpu.memory_space<vmem>>) semaphore(%arg12 : memref<!tpu.dma_semaphore, #tpu.memory_space<semaphore_mem>>)
      %dma_wait3A = arith.constant 0 : i32
      %dma_wait3A_50 = tpu.memref_slice %arg7[%mul3A_41, %dma_wait3A] : memref<40x125xi32, #tpu.memory_space<vmem>> -> memref<1x125xi32, #tpu.memory_space<vmem>>
      %dma_wait3A_51 = tpu.memref_squeeze %dma_wait3A_50 : memref<1x125xi32, #tpu.memory_space<vmem>> -> memref<125xi32, #tpu.memory_space<vmem>>
      %dma_wait3A_52 = arith.constant 0 : i32
      %dma_wait3A_53 = arith.constant 0 : i32
      %dma_wait3A_54 = tpu.memref_slice %arg2[%dma_wait3A_52, %dma_wait3A_53] : memref<10000x128xf32, #tpu.memory_space<hbm>> -> memref<10000x128xf32, #tpu.memory_space<hbm>>
      tpu.wait_indirect_dma semaphore(%arg11 : memref<!tpu.dma_semaphore, #tpu.memory_space<semaphore_mem>>) src(%dma_wait3A_54 : memref<10000x128xf32, #tpu.memory_space<hbm>>) dst(%arg9 : memref<125x128xf32, #tpu.memory_space<vmem>>)
      "tpu.region"() ({
        %run_scoped3A_65 = tpu.sem_alloc : memref<!tpu.dma_semaphore, #tpu.memory_space<semaphore_mem>>
        %dma_start3A_66 = arith.constant 0 : i32
        %dma_start3A_67 = tpu.memref_slice %arg8[%mul3A_41, %dma_start3A_66] : memref<40x125xi32, #tpu.memory_space<vmem>> -> memref<1x125xi32, #tpu.memory_space<vmem>>
        %dma_start3A_68 = tpu.memref_squeeze %dma_start3A_67 : memref<1x125xi32, #tpu.memory_space<vmem>> -> memref<125xi32, #tpu.memory_space<vmem>>
        %dma_start3A_69 = arith.constant 0 : i32
        %dma_start3A_70 = arith.constant 0 : i32
        %dma_start3A_71 = tpu.memref_slice %arg6[%dma_start3A_69, %dma_start3A_70] : memref<10112x128xf32, #tpu.memory_space<vmem_shared>> -> memref<10112x128xf32, #tpu.memory_space<vmem_shared>>
        tpu.enqueue_indirect_dma source(%arg9 : memref<125x128xf32, #tpu.memory_space<vmem>>) target(%dma_start3A_71 : memref<10112x128xf32, #tpu.memory_space<vmem_shared>>) offsets(%dma_start3A_68 : memref<125xi32, #tpu.memory_space<vmem>>) semaphore(%run_scoped3A_65 : memref<!tpu.dma_semaphore, #tpu.memory_space<semaphore_mem>>) {add = true}
        %dma_wait3A_72 = arith.constant 0 : i32
        %dma_wait3A_73 = tpu.memref_slice %arg8[%mul3A_41, %dma_wait3A_72] : memref<40x125xi32, #tpu.memory_space<vmem>> -> memref<1x125xi32, #tpu.memory_space<vmem>>
        %dma_wait3A_74 = tpu.memref_squeeze %dma_wait3A_73 : memref<1x125xi32, #tpu.memory_space<vmem>> -> memref<125xi32, #tpu.memory_space<vmem>>
        %dma_wait3A_75 = arith.constant 0 : i32
        %dma_wait3A_76 = arith.constant 0 : i32
        %dma_wait3A_77 = tpu.memref_slice %arg6[%dma_wait3A_75, %dma_wait3A_76] : memref<10112x128xf32, #tpu.memory_space<vmem_shared>> -> memref<10112x128xf32, #tpu.memory_space<vmem_shared>>
        tpu.wait_indirect_dma semaphore(%run_scoped3A_65 : memref<!tpu.dma_semaphore, #tpu.memory_space<semaphore_mem>>) src(%arg9 : memref<125x128xf32, #tpu.memory_space<vmem>>) dst(%dma_wait3A_77 : memref<10112x128xf32, #tpu.memory_space<vmem_shared>>)
        tpu.yield
      }) : () -> ()
      %add3A_55 = arith.constant 2 : i32
      %add3A_56 = arith.addi %mul3A_41, %add3A_55 : i32
      %lt3A = arith.constant 40 : i32
      %lt3A_57 = arith.cmpi slt, %add3A_56, %lt3A : i32
      %convert_element_type3A = arith.extui %lt3A_57 : i1 to i32
      %cond3A = arith.constant 0 : i32
      %cond3A_58 = arith.cmpi ne, %convert_element_type3A, %cond3A : i32
      scf.if %cond3A_58 {
        %add3A_65 = arith.constant 2 : i32
        %add3A_66 = arith.addi %mul3A_41, %add3A_65 : i32
        %dma_start3A_67 = arith.constant 0 : i32
        %dma_start3A_68 = tpu.memref_slice %arg7[%add3A_66, %dma_start3A_67] : memref<40x125xi32, #tpu.memory_space<vmem>> -> memref<1x125xi32, #tpu.memory_space<vmem>>
        %dma_start3A_69 = tpu.memref_squeeze %dma_start3A_68 : memref<1x125xi32, #tpu.memory_space<vmem>> -> memref<125xi32, #tpu.memory_space<vmem>>
        %dma_start3A_70 = arith.constant 0 : i32
        %dma_start3A_71 = arith.constant 0 : i32
        %dma_start3A_72 = tpu.memref_slice %arg2[%dma_start3A_70, %dma_start3A_71] : memref<10000x128xf32, #tpu.memory_space<hbm>> -> memref<10000x128xf32, #tpu.memory_space<hbm>>
        tpu.enqueue_indirect_dma source(%dma_start3A_72 : memref<10000x128xf32, #tpu.memory_space<hbm>>) target(%arg9 : memref<125x128xf32, #tpu.memory_space<vmem>>) offsets(%dma_start3A_69 : memref<125xi32, #tpu.memory_space<vmem>>) semaphore(%arg11 : memref<!tpu.dma_semaphore, #tpu.memory_space<semaphore_mem>>)
      } else {
      }
      %dma_wait3A_59 = arith.constant 0 : i32
      %dma_wait3A_60 = tpu.memref_slice %arg7[%add3A_43, %dma_wait3A_59] : memref<40x125xi32, #tpu.memory_space<vmem>> -> memref<1x125xi32, #tpu.memory_space<vmem>>
      %dma_wait3A_61 = tpu.memref_squeeze %dma_wait3A_60 : memref<1x125xi32, #tpu.memory_space<vmem>> -> memref<125xi32, #tpu.memory_space<vmem>>
      %dma_wait3A_62 = arith.constant 0 : i32
      %dma_wait3A_63 = arith.constant 0 : i32
      %dma_wait3A_64 = tpu.memref_slice %arg2[%dma_wait3A_62, %dma_wait3A_63] : memref<10000x128xf32, #tpu.memory_space<hbm>> -> memref<10000x128xf32, #tpu.memory_space<hbm>>
      tpu.wait_indirect_dma semaphore(%arg12 : memref<!tpu.dma_semaphore, #tpu.memory_space<semaphore_mem>>) src(%dma_wait3A_64 : memref<10000x128xf32, #tpu.memory_space<hbm>>) dst(%arg10 : memref<125x128xf32, #tpu.memory_space<vmem>>)
      "tpu.region"() ({
        %run_scoped3A_65 = tpu.sem_alloc : memref<!tpu.dma_semaphore, #tpu.memory_space<semaphore_mem>>
        %dma_start3A_66 = arith.constant 0 : i32
        %dma_start3A_67 = tpu.memref_slice %arg8[%add3A_43, %dma_start3A_66] : memref<40x125xi32, #tpu.memory_space<vmem>> -> memref<1x125xi32, #tpu.memory_space<vmem>>
        %dma_start3A_68 = tpu.memref_squeeze %dma_start3A_67 : memref<1x125xi32, #tpu.memory_space<vmem>> -> memref<125xi32, #tpu.memory_space<vmem>>
        %dma_start3A_69 = arith.constant 0 : i32
        %dma_start3A_70 = arith.constant 0 : i32
        %dma_start3A_71 = tpu.memref_slice %arg6[%dma_start3A_69, %dma_start3A_70] : memref<10112x128xf32, #tpu.memory_space<vmem_shared>> -> memref<10112x128xf32, #tpu.memory_space<vmem_shared>>
        tpu.enqueue_indirect_dma source(%arg10 : memref<125x128xf32, #tpu.memory_space<vmem>>) target(%dma_start3A_71 : memref<10112x128xf32, #tpu.memory_space<vmem_shared>>) offsets(%dma_start3A_68 : memref<125xi32, #tpu.memory_space<vmem>>) semaphore(%run_scoped3A_65 : memref<!tpu.dma_semaphore, #tpu.memory_space<semaphore_mem>>) {add = true}
        %dma_wait3A_72 = arith.constant 0 : i32
        %dma_wait3A_73 = tpu.memref_slice %arg8[%add3A_43, %dma_wait3A_72] : memref<40x125xi32, #tpu.memory_space<vmem>> -> memref<1x125xi32, #tpu.memory_space<vmem>>
        %dma_wait3A_74 = tpu.memref_squeeze %dma_wait3A_73 : memref<1x125xi32, #tpu.memory_space<vmem>> -> memref<125xi32, #tpu.memory_space<vmem>>
        %dma_wait3A_75 = arith.constant 0 : i32
        %dma_wait3A_76 = arith.constant 0 : i32
        %dma_wait3A_77 = tpu.memref_slice %arg6[%dma_wait3A_75, %dma_wait3A_76] : memref<10112x128xf32, #tpu.memory_space<vmem_shared>> -> memref<10112x128xf32, #tpu.memory_space<vmem_shared>>
        tpu.wait_indirect_dma semaphore(%run_scoped3A_65 : memref<!tpu.dma_semaphore, #tpu.memory_space<semaphore_mem>>) src(%arg10 : memref<125x128xf32, #tpu.memory_space<vmem>>) dst(%dma_wait3A_77 : memref<10112x128xf32, #tpu.memory_space<vmem_shared>>)
        tpu.yield
      }) : () -> ()
    }
    %scan3A_16 = arith.constant 20 : i32
    %run_scoped3A_17 = arith.constant 0 : i32
    %run_scoped3A_18 = arith.constant 1 : i32
    "tpu.region"() ({
      %run_scoped3A_39 = tpu.sem_alloc : memref<!tpu.dma_semaphore, #tpu.memory_space<semaphore_mem>>
      %dma_start3A_40 = arith.constant 0 : i32
      %dma_start3A_41 = arith.constant 0 : i32
      %dma_start3A_42 = tpu.memref_slice %arg3[%run_scoped3A_17, %add3A, %run_scoped3A_18, %dma_start3A_40, %dma_start3A_41] : memref<2x32x2x40x125xi32, #tpu.memory_space<hbm>> -> memref<1x1x1x40x125xi32, #tpu.memory_space<hbm>>
      %dma_start3A_43 = tpu.memref_squeeze %dma_start3A_42 : memref<1x1x1x40x125xi32, #tpu.memory_space<hbm>> -> memref<40x125xi32, #tpu.memory_space<hbm>>
      %dma_start3A_44 = arith.constant 0 : i32
      %dma_start3A_45 = arith.constant 0 : i32
      %dma_start3A_46 = tpu.memref_slice %arg3[%run_scoped3A_17, %add3A, %run_scoped3A_18, %dma_start3A_44, %dma_start3A_45] : memref<2x32x2x40x125xi32, #tpu.memory_space<hbm>> -> memref<1x1x1x40x125xi32, #tpu.memory_space<hbm>>
      %dma_start3A_47 = tpu.memref_squeeze %dma_start3A_46 : memref<1x1x1x40x125xi32, #tpu.memory_space<hbm>> -> memref<40x125xi32, #tpu.memory_space<hbm>>
      tpu.enqueue_dma source(%dma_start3A_47 : memref<40x125xi32, #tpu.memory_space<hbm>>) target(%arg7 : memref<40x125xi32, #tpu.memory_space<vmem>>) target_semaphore(%run_scoped3A_39 : memref<!tpu.dma_semaphore, #tpu.memory_space<semaphore_mem>>)
      %dma_wait3A = arith.constant 0 : i32
      %dma_wait3A_48 = arith.constant 0 : i32
      %dma_wait3A_49 = tpu.memref_slice %arg3[%run_scoped3A_17, %add3A, %run_scoped3A_18, %dma_wait3A, %dma_wait3A_48] : memref<2x32x2x40x125xi32, #tpu.memory_space<hbm>> -> memref<1x1x1x40x125xi32, #tpu.memory_space<hbm>>
      %dma_wait3A_50 = tpu.memref_squeeze %dma_wait3A_49 : memref<1x1x1x40x125xi32, #tpu.memory_space<hbm>> -> memref<40x125xi32, #tpu.memory_space<hbm>>
      %dma_wait3A_51 = arith.constant 0 : i32
      %dma_wait3A_52 = arith.constant 0 : i32
      %dma_wait3A_53 = tpu.memref_slice %arg3[%run_scoped3A_17, %add3A, %run_scoped3A_18, %dma_wait3A_51, %dma_wait3A_52] : memref<2x32x2x40x125xi32, #tpu.memory_space<hbm>> -> memref<1x1x1x40x125xi32, #tpu.memory_space<hbm>>
      %dma_wait3A_54 = tpu.memref_squeeze %dma_wait3A_53 : memref<1x1x1x40x125xi32, #tpu.memory_space<hbm>> -> memref<40x125xi32, #tpu.memory_space<hbm>>
      tpu.wait_dma2 semaphore(%run_scoped3A_39 : memref<!tpu.dma_semaphore, #tpu.memory_space<semaphore_mem>>) src(%dma_wait3A_54 : memref<40x125xi32, #tpu.memory_space<hbm>>) dst(%arg7 : memref<40x125xi32, #tpu.memory_space<vmem>>)
      tpu.yield
    }) : () -> ()
    %run_scoped3A_19 = arith.constant 1 : i32
    %run_scoped3A_20 = arith.constant 1 : i32
    "tpu.region"() ({
      %run_scoped3A_39 = tpu.sem_alloc : memref<!tpu.dma_semaphore, #tpu.memory_space<semaphore_mem>>
      %dma_start3A_40 = arith.constant 0 : i32
      %dma_start3A_41 = arith.constant 0 : i32
      %dma_start3A_42 = tpu.memref_slice %arg3[%run_scoped3A_19, %add3A, %run_scoped3A_20, %dma_start3A_40, %dma_start3A_41] : memref<2x32x2x40x125xi32, #tpu.memory_space<hbm>> -> memref<1x1x1x40x125xi32, #tpu.memory_space<hbm>>
      %dma_start3A_43 = tpu.memref_squeeze %dma_start3A_42 : memref<1x1x1x40x125xi32, #tpu.memory_space<hbm>> -> memref<40x125xi32, #tpu.memory_space<hbm>>
      %dma_start3A_44 = arith.constant 0 : i32
      %dma_start3A_45 = arith.constant 0 : i32
      %dma_start3A_46 = tpu.memref_slice %arg3[%run_scoped3A_19, %add3A, %run_scoped3A_20, %dma_start3A_44, %dma_start3A_45] : memref<2x32x2x40x125xi32, #tpu.memory_space<hbm>> -> memref<1x1x1x40x125xi32, #tpu.memory_space<hbm>>
      %dma_start3A_47 = tpu.memref_squeeze %dma_start3A_46 : memref<1x1x1x40x125xi32, #tpu.memory_space<hbm>> -> memref<40x125xi32, #tpu.memory_space<hbm>>
      tpu.enqueue_dma source(%dma_start3A_47 : memref<40x125xi32, #tpu.memory_space<hbm>>) target(%arg8 : memref<40x125xi32, #tpu.memory_space<vmem>>) target_semaphore(%run_scoped3A_39 : memref<!tpu.dma_semaphore, #tpu.memory_space<semaphore_mem>>)
      %dma_wait3A = arith.constant 0 : i32
      %dma_wait3A_48 = arith.constant 0 : i32
      %dma_wait3A_49 = tpu.memref_slice %arg3[%run_scoped3A_19, %add3A, %run_scoped3A_20, %dma_wait3A, %dma_wait3A_48] : memref<2x32x2x40x125xi32, #tpu.memory_space<hbm>> -> memref<1x1x1x40x125xi32, #tpu.memory_space<hbm>>
      %dma_wait3A_50 = tpu.memref_squeeze %dma_wait3A_49 : memref<1x1x1x40x125xi32, #tpu.memory_space<hbm>> -> memref<40x125xi32, #tpu.memory_space<hbm>>
      %dma_wait3A_51 = arith.constant 0 : i32
      %dma_wait3A_52 = arith.constant 0 : i32
      %dma_wait3A_53 = tpu.memref_slice %arg3[%run_scoped3A_19, %add3A, %run_scoped3A_20, %dma_wait3A_51, %dma_wait3A_52] : memref<2x32x2x40x125xi32, #tpu.memory_space<hbm>> -> memref<1x1x1x40x125xi32, #tpu.memory_space<hbm>>
      %dma_wait3A_54 = tpu.memref_squeeze %dma_wait3A_53 : memref<1x1x1x40x125xi32, #tpu.memory_space<hbm>> -> memref<40x125xi32, #tpu.memory_space<hbm>>
      tpu.wait_dma2 semaphore(%run_scoped3A_39 : memref<!tpu.dma_semaphore, #tpu.memory_space<semaphore_mem>>) src(%dma_wait3A_54 : memref<40x125xi32, #tpu.memory_space<hbm>>) dst(%arg8 : memref<40x125xi32, #tpu.memory_space<vmem>>)
      tpu.yield
    }) : () -> ()
    %dma_start3A_21 = arith.constant 0 : i32
    %dma_start3A_22 = arith.constant 0 : i32
    %dma_start3A_23 = tpu.memref_slice %arg7[%dma_start3A_21, %dma_start3A_22] : memref<40x125xi32, #tpu.memory_space<vmem>> -> memref<1x125xi32, #tpu.memory_space<vmem>>
    %dma_start3A_24 = tpu.memref_squeeze %dma_start3A_23 : memref<1x125xi32, #tpu.memory_space<vmem>> -> memref<125xi32, #tpu.memory_space<vmem>>
    %dma_start3A_25 = arith.constant 0 : i32
    %dma_start3A_26 = arith.constant 0 : i32
    %dma_start3A_27 = tpu.memref_slice %arg2[%dma_start3A_25, %dma_start3A_26] : memref<10000x128xf32, #tpu.memory_space<hbm>> -> memref<10000x128xf32, #tpu.memory_space<hbm>>
    tpu.enqueue_indirect_dma source(%dma_start3A_27 : memref<10000x128xf32, #tpu.memory_space<hbm>>) target(%arg9 : memref<125x128xf32, #tpu.memory_space<vmem>>) offsets(%dma_start3A_24 : memref<125xi32, #tpu.memory_space<vmem>>) semaphore(%arg11 : memref<!tpu.dma_semaphore, #tpu.memory_space<semaphore_mem>>)
    %scan3A_28 = arith.constant 0 : i32
    %scan3A_29 = arith.constant 0 : i32
    %scan3A_30 = arith.constant 20 : i32
    %scan3A_31 = arith.addi %scan3A_29, %scan3A_30 : i32
    %scan3A_32 = arith.constant 1 : i32
    scf.for %scan3A_39 = %scan3A_29 to %scan3A_31 step %scan3A_32  : i32 {
      %mul3A_40 = arith.constant 2 : i32
      %mul3A_41 = arith.muli %scan3A_39, %mul3A_40 : i32
      %add3A_42 = arith.constant 1 : i32
      %add3A_43 = arith.addi %mul3A_41, %add3A_42 : i32
      %dma_start3A_44 = arith.constant 0 : i32
      %dma_start3A_45 = tpu.memref_slice %arg7[%add3A_43, %dma_start3A_44] : memref<40x125xi32, #tpu.memory_space<vmem>> -> memref<1x125xi32, #tpu.memory_space<vmem>>
      %dma_start3A_46 = tpu.memref_squeeze %dma_start3A_45 : memref<1x125xi32, #tpu.memory_space<vmem>> -> memref<125xi32, #tpu.memory_space<vmem>>
      %dma_start3A_47 = arith.constant 0 : i32
      %dma_start3A_48 = arith.constant 0 : i32
      %dma_start3A_49 = tpu.memref_slice %arg2[%dma_start3A_47, %dma_start3A_48] : memref<10000x128xf32, #tpu.memory_space<hbm>> -> memref<10000x128xf32, #tpu.memory_space<hbm>>
      tpu.enqueue_indirect_dma source(%dma_start3A_49 : memref<10000x128xf32, #tpu.memory_space<hbm>>) target(%arg10 : memref<125x128xf32, #tpu.memory_space<vmem>>) offsets(%dma_start3A_46 : memref<125xi32, #tpu.memory_space<vmem>>) semaphore(%arg12 : memref<!tpu.dma_semaphore, #tpu.memory_space<semaphore_mem>>)
      %dma_wait3A = arith.constant 0 : i32
      %dma_wait3A_50 = tpu.memref_slice %arg7[%mul3A_41, %dma_wait3A] : memref<40x125xi32, #tpu.memory_space<vmem>> -> memref<1x125xi32, #tpu.memory_space<vmem>>
      %dma_wait3A_51 = tpu.memref_squeeze %dma_wait3A_50 : memref<1x125xi32, #tpu.memory_space<vmem>> -> memref<125xi32, #tpu.memory_space<vmem>>
      %dma_wait3A_52 = arith.constant 0 : i32
      %dma_wait3A_53 = arith.constant 0 : i32
      %dma_wait3A_54 = tpu.memref_slice %arg2[%dma_wait3A_52, %dma_wait3A_53] : memref<10000x128xf32, #tpu.memory_space<hbm>> -> memref<10000x128xf32, #tpu.memory_space<hbm>>
      tpu.wait_indirect_dma semaphore(%arg11 : memref<!tpu.dma_semaphore, #tpu.memory_space<semaphore_mem>>) src(%dma_wait3A_54 : memref<10000x128xf32, #tpu.memory_space<hbm>>) dst(%arg9 : memref<125x128xf32, #tpu.memory_space<vmem>>)
      "tpu.region"() ({
        %run_scoped3A_65 = tpu.sem_alloc : memref<!tpu.dma_semaphore, #tpu.memory_space<semaphore_mem>>
        %dma_start3A_66 = arith.constant 0 : i32
        %dma_start3A_67 = tpu.memref_slice %arg8[%mul3A_41, %dma_start3A_66] : memref<40x125xi32, #tpu.memory_space<vmem>> -> memref<1x125xi32, #tpu.memory_space<vmem>>
        %dma_start3A_68 = tpu.memref_squeeze %dma_start3A_67 : memref<1x125xi32, #tpu.memory_space<vmem>> -> memref<125xi32, #tpu.memory_space<vmem>>
        %dma_start3A_69 = arith.constant 0 : i32
        %dma_start3A_70 = arith.constant 0 : i32
        %dma_start3A_71 = tpu.memref_slice %arg6[%dma_start3A_69, %dma_start3A_70] : memref<10112x128xf32, #tpu.memory_space<vmem_shared>> -> memref<10112x128xf32, #tpu.memory_space<vmem_shared>>
        tpu.enqueue_indirect_dma source(%arg9 : memref<125x128xf32, #tpu.memory_space<vmem>>) target(%dma_start3A_71 : memref<10112x128xf32, #tpu.memory_space<vmem_shared>>) offsets(%dma_start3A_68 : memref<125xi32, #tpu.memory_space<vmem>>) semaphore(%run_scoped3A_65 : memref<!tpu.dma_semaphore, #tpu.memory_space<semaphore_mem>>) {add = true}
        %dma_wait3A_72 = arith.constant 0 : i32
        %dma_wait3A_73 = tpu.memref_slice %arg8[%mul3A_41, %dma_wait3A_72] : memref<40x125xi32, #tpu.memory_space<vmem>> -> memref<1x125xi32, #tpu.memory_space<vmem>>
        %dma_wait3A_74 = tpu.memref_squeeze %dma_wait3A_73 : memref<1x125xi32, #tpu.memory_space<vmem>> -> memref<125xi32, #tpu.memory_space<vmem>>
        %dma_wait3A_75 = arith.constant 0 : i32
        %dma_wait3A_76 = arith.constant 0 : i32
        %dma_wait3A_77 = tpu.memref_slice %arg6[%dma_wait3A_75, %dma_wait3A_76] : memref<10112x128xf32, #tpu.memory_space<vmem_shared>> -> memref<10112x128xf32, #tpu.memory_space<vmem_shared>>
        tpu.wait_indirect_dma semaphore(%run_scoped3A_65 : memref<!tpu.dma_semaphore, #tpu.memory_space<semaphore_mem>>) src(%arg9 : memref<125x128xf32, #tpu.memory_space<vmem>>) dst(%dma_wait3A_77 : memref<10112x128xf32, #tpu.memory_space<vmem_shared>>)
        tpu.yield
      }) : () -> ()
      %add3A_55 = arith.constant 2 : i32
      %add3A_56 = arith.addi %mul3A_41, %add3A_55 : i32
      %lt3A = arith.constant 40 : i32
      %lt3A_57 = arith.cmpi slt, %add3A_56, %lt3A : i32
      %convert_element_type3A = arith.extui %lt3A_57 : i1 to i32
      %cond3A = arith.constant 0 : i32
      %cond3A_58 = arith.cmpi ne, %convert_element_type3A, %cond3A : i32
      scf.if %cond3A_58 {
        %add3A_65 = arith.constant 2 : i32
        %add3A_66 = arith.addi %mul3A_41, %add3A_65 : i32
        %dma_start3A_67 = arith.constant 0 : i32
        %dma_start3A_68 = tpu.memref_slice %arg7[%add3A_66, %dma_start3A_67] : memref<40x125xi32, #tpu.memory_space<vmem>> -> memref<1x125xi32, #tpu.memory_space<vmem>>
        %dma_start3A_69 = tpu.memref_squeeze %dma_start3A_68 : memref<1x125xi32, #tpu.memory_space<vmem>> -> memref<125xi32, #tpu.memory_space<vmem>>
        %dma_start3A_70 = arith.constant 0 : i32
        %dma_start3A_71 = arith.constant 0 : i32
        %dma_start3A_72 = tpu.memref_slice %arg2[%dma_start3A_70, %dma_start3A_71] : memref<10000x128xf32, #tpu.memory_space<hbm>> -> memref<10000x128xf32, #tpu.memory_space<hbm>>
        tpu.enqueue_indirect_dma source(%dma_start3A_72 : memref<10000x128xf32, #tpu.memory_space<hbm>>) target(%arg9 : memref<125x128xf32, #tpu.memory_space<vmem>>) offsets(%dma_start3A_69 : memref<125xi32, #tpu.memory_space<vmem>>) semaphore(%arg11 : memref<!tpu.dma_semaphore, #tpu.memory_space<semaphore_mem>>)
      } else {
      }
      %dma_wait3A_59 = arith.constant 0 : i32
      %dma_wait3A_60 = tpu.memref_slice %arg7[%add3A_43, %dma_wait3A_59] : memref<40x125xi32, #tpu.memory_space<vmem>> -> memref<1x125xi32, #tpu.memory_space<vmem>>
      %dma_wait3A_61 = tpu.memref_squeeze %dma_wait3A_60 : memref<1x125xi32, #tpu.memory_space<vmem>> -> memref<125xi32, #tpu.memory_space<vmem>>
      %dma_wait3A_62 = arith.constant 0 : i32
      %dma_wait3A_63 = arith.constant 0 : i32
      %dma_wait3A_64 = tpu.memref_slice %arg2[%dma_wait3A_62, %dma_wait3A_63] : memref<10000x128xf32, #tpu.memory_space<hbm>> -> memref<10000x128xf32, #tpu.memory_space<hbm>>
      tpu.wait_indirect_dma semaphore(%arg12 : memref<!tpu.dma_semaphore, #tpu.memory_space<semaphore_mem>>) src(%dma_wait3A_64 : memref<10000x128xf32, #tpu.memory_space<hbm>>) dst(%arg10 : memref<125x128xf32, #tpu.memory_space<vmem>>)
      "tpu.region"() ({
        %run_scoped3A_65 = tpu.sem_alloc : memref<!tpu.dma_semaphore, #tpu.memory_space<semaphore_mem>>
        %dma_start3A_66 = arith.constant 0 : i32
        %dma_start3A_67 = tpu.memref_slice %arg8[%add3A_43, %dma_start3A_66] : memref<40x125xi32, #tpu.memory_space<vmem>> -> memref<1x125xi32, #tpu.memory_space<vmem>>
        %dma_start3A_68 = tpu.memref_squeeze %dma_start3A_67 : memref<1x125xi32, #tpu.memory_space<vmem>> -> memref<125xi32, #tpu.memory_space<vmem>>
        %dma_start3A_69 = arith.constant 0 : i32
        %dma_start3A_70 = arith.constant 0 : i32
        %dma_start3A_71 = tpu.memref_slice %arg6[%dma_start3A_69, %dma_start3A_70] : memref<10112x128xf32, #tpu.memory_space<vmem_shared>> -> memref<10112x128xf32, #tpu.memory_space<vmem_shared>>
        tpu.enqueue_indirect_dma source(%arg10 : memref<125x128xf32, #tpu.memory_space<vmem>>) target(%dma_start3A_71 : memref<10112x128xf32, #tpu.memory_space<vmem_shared>>) offsets(%dma_start3A_68 : memref<125xi32, #tpu.memory_space<vmem>>) semaphore(%run_scoped3A_65 : memref<!tpu.dma_semaphore, #tpu.memory_space<semaphore_mem>>) {add = true}
        %dma_wait3A_72 = arith.constant 0 : i32
        %dma_wait3A_73 = tpu.memref_slice %arg8[%add3A_43, %dma_wait3A_72] : memref<40x125xi32, #tpu.memory_space<vmem>> -> memref<1x125xi32, #tpu.memory_space<vmem>>
        %dma_wait3A_74 = tpu.memref_squeeze %dma_wait3A_73 : memref<1x125xi32, #tpu.memory_space<vmem>> -> memref<125xi32, #tpu.memory_space<vmem>>
        %dma_wait3A_75 = arith.constant 0 : i32
        %dma_wait3A_76 = arith.constant 0 : i32
        %dma_wait3A_77 = tpu.memref_slice %arg6[%dma_wait3A_75, %dma_wait3A_76] : memref<10112x128xf32, #tpu.memory_space<vmem_shared>> -> memref<10112x128xf32, #tpu.memory_space<vmem_shared>>
        tpu.wait_indirect_dma semaphore(%run_scoped3A_65 : memref<!tpu.dma_semaphore, #tpu.memory_space<semaphore_mem>>) src(%arg10 : memref<125x128xf32, #tpu.memory_space<vmem>>) dst(%dma_wait3A_77 : memref<10112x128xf32, #tpu.memory_space<vmem_shared>>)
        tpu.yield
      }) : () -> ()
    }
    %scan3A_33 = arith.constant 20 : i32
    %barrier3A_34 = arith.constant 0 : index
    tpu.barrier barrier_id(%barrier3A_34)
    %mul3A_35 = arith.constant 632 : i32
    %mul3A_36 = arith.muli %arg1, %mul3A_35 : i32
    %mul3A_37 = arith.constant 632 : i32
    %mul3A_38 = arith.muli %arg1, %mul3A_37 : i32
    "tpu.region"() ({
      %run_scoped3A_39 = tpu.sem_alloc : memref<!tpu.dma_semaphore, #tpu.memory_space<semaphore_mem>>
      %dma_start3A_40 = arith.constant 0 : i32
      %dma_start3A_41 = tpu.memref_slice %arg5[%arg0, %mul3A_38, %dma_start3A_40] : memref<2x10112x128xf32, #tpu.memory_space<hbm>> -> memref<1x632x128xf32, #tpu.memory_space<hbm>>
      %dma_start3A_42 = tpu.memref_squeeze %dma_start3A_41 : memref<1x632x128xf32, #tpu.memory_space<hbm>> -> memref<632x128xf32, #tpu.memory_space<hbm>>
      %dma_start3A_43 = arith.constant 0 : i32
      %dma_start3A_44 = tpu.memref_slice %arg6[%mul3A_36, %dma_start3A_43] : memref<10112x128xf32, #tpu.memory_space<vmem_shared>> -> memref<632x128xf32, #tpu.memory_space<vmem_shared>>
      tpu.enqueue_dma source(%dma_start3A_44 : memref<632x128xf32, #tpu.memory_space<vmem_shared>>) target(%dma_start3A_42 : memref<632x128xf32, #tpu.memory_space<hbm>>) target_semaphore(%run_scoped3A_39 : memref<!tpu.dma_semaphore, #tpu.memory_space<semaphore_mem>>)
      %dma_wait3A = arith.constant 0 : i32
      %dma_wait3A_45 = tpu.memref_slice %arg5[%arg0, %mul3A_38, %dma_wait3A] : memref<2x10112x128xf32, #tpu.memory_space<hbm>> -> memref<1x632x128xf32, #tpu.memory_space<hbm>>
      %dma_wait3A_46 = tpu.memref_squeeze %dma_wait3A_45 : memref<1x632x128xf32, #tpu.memory_space<hbm>> -> memref<632x128xf32, #tpu.memory_space<hbm>>
      %dma_wait3A_47 = arith.constant 0 : i32
      %dma_wait3A_48 = tpu.memref_slice %arg6[%mul3A_36, %dma_wait3A_47] : memref<10112x128xf32, #tpu.memory_space<vmem_shared>> -> memref<632x128xf32, #tpu.memory_space<vmem_shared>>
      tpu.wait_dma2 semaphore(%run_scoped3A_39 : memref<!tpu.dma_semaphore, #tpu.memory_space<semaphore_mem>>) src(%dma_wait3A_48 : memref<632x128xf32, #tpu.memory_space<vmem_shared>>) dst(%dma_wait3A_46 : memref<632x128xf32, #tpu.memory_space<hbm>>)
      tpu.yield
    }) : () -> ()
    return
  }
}

module attributes {stable_mosaic.version = 14 : i64} {
  func.func @_tc1_body(%arg0: memref<10000x128xf32, #tpu.memory_space<vmem>>, %arg1: memref<128x128xf32, #tpu.memory_space<vmem>>, %arg2: memref<2x10112x128xf32, #tpu.memory_space<vmem>>, %arg3: memref<10000x128xf32, #tpu.memory_space<vmem>>, %arg4: memref<10000x128xf32, #tpu.memory_space<vmem>>) attributes {dimension_semantics = [], scalar_prefetch = 0 : i64, scratch_operands = 0 : i64, tpu.core_type = #tpu.core_type<tc>} {
    %get3A = arith.constant 0 : index
    %get3A_0 = arith.constant 0 : index
    %get3A_1 = arith.constant 0 : index
    %get3A_2 = vector.load %arg2[%get3A, %get3A_0, %get3A_1] : memref<2x10112x128xf32, #tpu.memory_space<vmem>>, vector<2x10112x128xf32>
    %slice3A = vector.extract_strided_slice %get3A_2 {offsets = [0, 0, 0], sizes = [1, 10000, 1], strides = [1, 1, 1]} : vector<2x10112x128xf32> to vector<1x10000x1xf32>
    %squeeze3A = vector.shape_cast %slice3A : vector<1x10000x1xf32> to vector<10000x1xf32>
    %slice3A_3 = vector.extract_strided_slice %get3A_2 {offsets = [1, 0, 0], sizes = [1, 10000, 1], strides = [1, 1, 1]} : vector<2x10112x128xf32> to vector<1x10000x1xf32>
    %squeeze3A_4 = vector.shape_cast %slice3A_3 : vector<1x10000x1xf32> to vector<10000x1xf32>
    %add3A = arith.addf %squeeze3A, %squeeze3A_4 : vector<10000x1xf32>
    %add3A_5 = arith.constant 1.000000e+00 : f32
    %add3A_6 = vector.broadcast %add3A_5 : f32 to vector<10000x1xf32>
    %add3A_7 = arith.addf %add3A, %add3A_6 : vector<10000x1xf32>
    %rsqrt3A = math.rsqrt %add3A_7 : vector<10000x1xf32>
    %broadcast_in_dim3A = vector.shape_cast %rsqrt3A : vector<10000x1xf32> to vector<10000x1xf32>
    %broadcast_in_dim3A_8 = vector.broadcast %broadcast_in_dim3A : vector<10000x1xf32> to vector<10000x128xf32>
    %get3A_9 = arith.constant 0 : index
    %get3A_10 = arith.constant 0 : index
    %get3A_11 = vector.load %arg0[%get3A_9, %get3A_10] : memref<10000x128xf32, #tpu.memory_space<vmem>>, vector<10000x128xf32>
    %get3A_12 = arith.constant 0 : index
    %get3A_13 = arith.constant 0 : index
    %get3A_14 = vector.load %arg1[%get3A_12, %get3A_13] : memref<128x128xf32, #tpu.memory_space<vmem>>, vector<128x128xf32>
    %dot_general3A = arith.constant dense<0.000000e+00> : vector<10000x128xf32>
    %dot_general3A_15 = tpu.matmul %get3A_11, %get3A_14, %dot_general3A {dimension_numbers = #tpu.dot_dimension_numbers<[1], [0], [0], [1], [0, 0, 1, 1], [], []>, transpose_lhs_hint = false} : vector<10000x128xf32>, vector<128x128xf32>, vector<10000x128xf32> -> vector<10000x128xf32>
    %mul3A = arith.mulf %dot_general3A_15, %broadcast_in_dim3A_8 : vector<10000x128xf32>
    %swap3A = arith.constant 0 : index
    %swap3A_16 = arith.constant 0 : index
    %swap3A_17 = vector.load %arg3[%swap3A, %swap3A_16] : memref<10000x128xf32, #tpu.memory_space<vmem>>, vector<10000x128xf32>
    tpu.vector_store %arg3[%swap3A, %swap3A_16], %mul3A {strides = array<i32>} : memref<10000x128xf32, #tpu.memory_space<vmem>>, vector<10000x128xf32>,
    %swap3A_18 = arith.constant 0 : index
    %swap3A_19 = arith.constant 0 : index
    %swap3A_20 = vector.load %arg4[%swap3A_18, %swap3A_19] : memref<10000x128xf32, #tpu.memory_space<vmem>>, vector<10000x128xf32>
    tpu.vector_store %arg4[%swap3A_18, %swap3A_19], %broadcast_in_dim3A_8 {strides = array<i32>} : memref<10000x128xf32, #tpu.memory_space<vmem>>, vector<10000x128xf32>,
    return
  }
}

module attributes {stable_mosaic.version = 14 : i64} {
  func.func @_tc_mid_body(%arg0: memref<2x10112x128xf32, #tpu.memory_space<vmem>>, %arg1: memref<10000x128xf32, #tpu.memory_space<vmem>>, %arg2: memref<10000x128xf32, #tpu.memory_space<vmem>>, %arg3: memref<128xf32, #tpu.memory_space<vmem>>, %arg4: memref<128x128xf32, #tpu.memory_space<vmem>>, %arg5: memref<256x128xf32, #tpu.memory_space<vmem>>, %arg6: memref<10000x128xf32, #tpu.memory_space<vmem>>, %arg7: memref<10000x128xf32, #tpu.memory_space<vmem>>) attributes {dimension_semantics = [], scalar_prefetch = 0 : i64, scratch_operands = 0 : i64, tpu.core_type = #tpu.core_type<tc>} {
    %get3A = arith.constant 0 : index
    %get3A_0 = arith.constant 0 : index
    %get3A_1 = vector.load %arg2[%get3A, %get3A_0] : memref<10000x128xf32, #tpu.memory_space<vmem>>, vector<10000x128xf32>
    %get3A_2 = arith.constant 0 : index
    %get3A_3 = arith.constant 0 : index
    %get3A_4 = arith.constant 0 : index
    %get3A_5 = vector.load %arg0[%get3A_2, %get3A_3, %get3A_4] : memref<2x10112x128xf32, #tpu.memory_space<vmem>>, vector<2x10112x128xf32>
    %slice3A = vector.extract_strided_slice %get3A_5 {offsets = [0, 0, 0], sizes = [1, 10000, 128], strides = [1, 1, 1]} : vector<2x10112x128xf32> to vector<1x10000x128xf32>
    %squeeze3A = vector.shape_cast %slice3A : vector<1x10000x128xf32> to vector<10000x128xf32>
    %slice3A_6 = vector.extract_strided_slice %get3A_5 {offsets = [1, 0, 0], sizes = [1, 10000, 128], strides = [1, 1, 1]} : vector<2x10112x128xf32> to vector<1x10000x128xf32>
    %squeeze3A_7 = vector.shape_cast %slice3A_6 : vector<1x10000x128xf32> to vector<10000x128xf32>
    %add3A = arith.addf %squeeze3A, %squeeze3A_7 : vector<10000x128xf32>
    %get3A_8 = arith.constant 0 : index
    %get3A_9 = arith.constant 0 : index
    %get3A_10 = vector.load %arg1[%get3A_8, %get3A_9] : memref<10000x128xf32, #tpu.memory_space<vmem>>, vector<10000x128xf32>
    %add3A_11 = arith.addf %add3A, %get3A_10 : vector<10000x128xf32>
    %mul3A = arith.mulf %get3A_1, %add3A_11 : vector<10000x128xf32>
    %get3A_12 = arith.constant 0 : index
    %get3A_13 = vector.load %arg3[%get3A_12] : memref<128xf32, #tpu.memory_space<vmem>>, vector<128xf32>
    %broadcast_in_dim3A = vector.shape_cast %get3A_13 : vector<128xf32> to vector<1x128xf32>
    %add3A_14 = vector.broadcast %broadcast_in_dim3A : vector<1x128xf32> to vector<10000x128xf32>
    %add3A_15 = arith.addf %mul3A, %add3A_14 : vector<10000x128xf32>
    %max3A = arith.constant 0.000000e+00 : f32
    %max3A_16 = vector.broadcast %max3A : f32 to vector<10000x128xf32>
    %max3A_17 = arith.maximumf %add3A_15, %max3A_16 : vector<10000x128xf32>
    %get3A_18 = arith.constant 0 : index
    %get3A_19 = arith.constant 0 : index
    %get3A_20 = vector.load %arg4[%get3A_18, %get3A_19] : memref<128x128xf32, #tpu.memory_space<vmem>>, vector<128x128xf32>
    %dot_general3A = arith.constant dense<0.000000e+00> : vector<10000x128xf32>
    %dot_general3A_21 = tpu.matmul %max3A_17, %get3A_20, %dot_general3A {dimension_numbers = #tpu.dot_dimension_numbers<[1], [0], [0], [1], [0, 0, 1, 1], [], []>, transpose_lhs_hint = false} : vector<10000x128xf32>, vector<128x128xf32>, vector<10000x128xf32> -> vector<10000x128xf32>
    %mul3A_22 = arith.mulf %dot_general3A_21, %get3A_1 : vector<10000x128xf32>
    %swap3A = arith.constant 0 : index
    %swap3A_23 = arith.constant 0 : index
    %swap3A_24 = vector.load %arg6[%swap3A, %swap3A_23] : memref<10000x128xf32, #tpu.memory_space<vmem>>, vector<10000x128xf32>
    tpu.vector_store %arg6[%swap3A, %swap3A_23], %mul3A_22 {strides = array<i32>} : memref<10000x128xf32, #tpu.memory_space<vmem>>, vector<10000x128xf32>,
    %get3A_25 = arith.constant 0 : index
    %get3A_26 = arith.constant 0 : index
    %get3A_27 = vector.load %arg5[%get3A_25, %get3A_26] : memref<256x128xf32, #tpu.memory_space<vmem>>, vector<128x128xf32>
    %dot_general3A_28 = arith.constant dense<0.000000e+00> : vector<10000x128xf32>
    %dot_general3A_29 = tpu.matmul %max3A_17, %get3A_27, %dot_general3A_28 {dimension_numbers = #tpu.dot_dimension_numbers<[1], [0], [0], [1], [0, 0, 1, 1], [], []>, transpose_lhs_hint = false} : vector<10000x128xf32>, vector<128x128xf32>, vector<10000x128xf32> -> vector<10000x128xf32>
    %swap3A_30 = arith.constant 0 : index
    %swap3A_31 = arith.constant 0 : index
    %swap3A_32 = vector.load %arg7[%swap3A_30, %swap3A_31] : memref<10000x128xf32, #tpu.memory_space<vmem>>, vector<10000x128xf32>
    tpu.vector_store %arg7[%swap3A_30, %swap3A_31], %dot_general3A_29 {strides = array<i32>} : memref<10000x128xf32, #tpu.memory_space<vmem>>, vector<10000x128xf32>,
    return
  }
}

module attributes {stable_mosaic.version = 14 : i64} {
  func.func @_tc_fin_body(%arg0: memref<2x10112x128xf32, #tpu.memory_space<vmem>>, %arg1: memref<10000x128xf32, #tpu.memory_space<vmem>>, %arg2: memref<10000x128xf32, #tpu.memory_space<vmem>>, %arg3: memref<128xf32, #tpu.memory_space<vmem>>, %arg4: memref<10000x128xf32, #tpu.memory_space<vmem>>, %arg5: memref<256x128xf32, #tpu.memory_space<vmem>>, %arg6: memref<128xf32, #tpu.memory_space<vmem>>, %arg7: memref<10000x128xf32, #tpu.memory_space<vmem>>) attributes {dimension_semantics = [], scalar_prefetch = 0 : i64, scratch_operands = 0 : i64, tpu.core_type = #tpu.core_type<tc>} {
    %get3A = arith.constant 0 : index
    %get3A_0 = arith.constant 0 : index
    %get3A_1 = vector.load %arg2[%get3A, %get3A_0] : memref<10000x128xf32, #tpu.memory_space<vmem>>, vector<10000x128xf32>
    %get3A_2 = arith.constant 0 : index
    %get3A_3 = arith.constant 0 : index
    %get3A_4 = arith.constant 0 : index
    %get3A_5 = vector.load %arg0[%get3A_2, %get3A_3, %get3A_4] : memref<2x10112x128xf32, #tpu.memory_space<vmem>>, vector<2x10112x128xf32>
    %slice3A = vector.extract_strided_slice %get3A_5 {offsets = [0, 0, 0], sizes = [1, 10000, 128], strides = [1, 1, 1]} : vector<2x10112x128xf32> to vector<1x10000x128xf32>
    %squeeze3A = vector.shape_cast %slice3A : vector<1x10000x128xf32> to vector<10000x128xf32>
    %slice3A_6 = vector.extract_strided_slice %get3A_5 {offsets = [1, 0, 0], sizes = [1, 10000, 128], strides = [1, 1, 1]} : vector<2x10112x128xf32> to vector<1x10000x128xf32>
    %squeeze3A_7 = vector.shape_cast %slice3A_6 : vector<1x10000x128xf32> to vector<10000x128xf32>
    %add3A = arith.addf %squeeze3A, %squeeze3A_7 : vector<10000x128xf32>
    %get3A_8 = arith.constant 0 : index
    %get3A_9 = arith.constant 0 : index
    %get3A_10 = vector.load %arg1[%get3A_8, %get3A_9] : memref<10000x128xf32, #tpu.memory_space<vmem>>, vector<10000x128xf32>
    %add3A_11 = arith.addf %add3A, %get3A_10 : vector<10000x128xf32>
    %mul3A = arith.mulf %get3A_1, %add3A_11 : vector<10000x128xf32>
    %get3A_12 = arith.constant 0 : index
    %get3A_13 = vector.load %arg3[%get3A_12] : memref<128xf32, #tpu.memory_space<vmem>>, vector<128xf32>
    %broadcast_in_dim3A = vector.shape_cast %get3A_13 : vector<128xf32> to vector<1x128xf32>
    %add3A_14 = vector.broadcast %broadcast_in_dim3A : vector<1x128xf32> to vector<10000x128xf32>
    %add3A_15 = arith.addf %mul3A, %add3A_14 : vector<10000x128xf32>
    %max3A = arith.constant 0.000000e+00 : f32
    %max3A_16 = vector.broadcast %max3A : f32 to vector<10000x128xf32>
    %max3A_17 = arith.maximumf %add3A_15, %max3A_16 : vector<10000x128xf32>
    %get3A_18 = arith.constant 0 : index
    %get3A_19 = arith.constant 0 : index
    %get3A_20 = vector.load %arg4[%get3A_18, %get3A_19] : memref<10000x128xf32, #tpu.memory_space<vmem>>, vector<10000x128xf32>
    %get3A_21 = arith.constant 128 : index
    %get3A_22 = arith.constant 0 : index
    %get3A_23 = vector.load %arg5[%get3A_21, %get3A_22] : memref<256x128xf32, #tpu.memory_space<vmem>>, vector<128x128xf32>
    %dot_general3A = arith.constant dense<0.000000e+00> : vector<10000x128xf32>
    %dot_general3A_24 = tpu.matmul %max3A_17, %get3A_23, %dot_general3A {dimension_numbers = #tpu.dot_dimension_numbers<[1], [0], [0], [1], [0, 0, 1, 1], [], []>, transpose_lhs_hint = false} : vector<10000x128xf32>, vector<128x128xf32>, vector<10000x128xf32> -> vector<10000x128xf32>
    %add3A_25 = arith.addf %get3A_20, %dot_general3A_24 : vector<10000x128xf32>
    %get3A_26 = arith.constant 0 : index
    %get3A_27 = vector.load %arg6[%get3A_26] : memref<128xf32, #tpu.memory_space<vmem>>, vector<128xf32>
    %broadcast_in_dim3A_28 = vector.shape_cast %get3A_27 : vector<128xf32> to vector<1x128xf32>
    %add3A_29 = vector.broadcast %broadcast_in_dim3A_28 : vector<1x128xf32> to vector<10000x128xf32>
    %add3A_30 = arith.addf %add3A_25, %add3A_29 : vector<10000x128xf32>
    %swap3A = arith.constant 0 : index
    %swap3A_31 = arith.constant 0 : index
    %swap3A_32 = vector.load %arg7[%swap3A, %swap3A_31] : memref<10000x128xf32, #tpu.memory_space<vmem>>, vector<10000x128xf32>
    tpu.vector_store %arg7[%swap3A, %swap3A_31], %add3A_30 {strides = array<i32>} : memref<10000x128xf32, #tpu.memory_space<vmem>>, vector<10000x128xf32>,
    return
  }
}

</mosaic_0001>

<sc_bundles>
// kernel: kernel.11.cloned.1.call-start
scs
__scs_entry_jumppad:
0x0: {  	(pc) =	sbr.rel $0x88, $3  }
0x1: {  	(tag) =	ssettag $0x0;
	lr =	simm.s32 $0x1  }
0x2: {  	[smem:$0x3F99] =	sst lr;
	_ =	strace $0xD0000000  }
0x3: {  	_ = 	snop  }
0x4: {  	_ = 	snop  }
0x5: {  	_ = 	snop  }
0x6: {  	_ = 	snop  }
0x7: {  	_ = 	snop  }
__scs_overlays_trampoline_lowered:
0x8: {  	[smem:$0x3FA8] =	sst s0  }
0x9: {  	[smem:$0x3FA9] =	sst s1  }
0xa: {  	[smem:$0x3FAA] =	sst s2  }
0xb: {  	[smem:$0x3FAB] =	sst s3  }
0xc: {  	[smem:$0x3FAC] =	sst s4  }
0xd: {  	[smem:$0x3FAD] =	sst s5  }
0xe: {  	[smem:$0x3FAE] =	sst s6  }
0xf: {  	[smem:$0x3FAF] =	sst s7  }
0x10: {  	[smem:$0x3FB0] =	sst s8  }
0x11: {  	[smem:$0x3FB1] =	sst s9;
	s0 =	simm.s32 @!p0 $0x0  }
0x12: {  	s1 =	sld [smem:$0x3F97];
	s0 =	simm.s32 @p0 $0x1  }
0x13: {  	[smem:$0x3FB2] =	sst s0;
	s0 =	simm.s32 @!p1 $0x0  }
0x14: {  	s2 =	sld [smem:$0x3F96];
	s0 =	simm.s32 @p1 $0x1  }
0x15: {  	[smem:$0x3FB3] =	sst s0;
	s0 =	simm.s32 @!p2 $0x0  }
0x16: {  	s3 =	sld [smem:$0x3FDB];
	s0 =	simm.s32 @p2 $0x1  }
0x17: {  	s4 =	simm.s32 $0x1BF5;
	[smem:$0x3FB5] =	sst s0  }
0x18: {  	s0 =	sld [smem:$0x3F98];
	_ =	swait.ge [sflag:s4], $0x0  }
0x19: {  	s7 =	sld [smem:$0x3F99]  }
0x1a: {  	s8 =	sadd.s32 $0xFFFFE003, lr  }
0x1b: {  	s9 =	sadd.s32 $0xFFFFFEF7, lr;
	s5 =	simm.s32 $0xFFFFFFFF;
	p2 =	slt.u32 s8, $0xFFFFF086  }
0x1c: {  	p1 =	slt.u32 s9, $0xF7A;
	s5 =	simm.s32 @!p2 $0x0  }
0x1d: {  	s5 =	simm.s32 @p1 $0x1;
	p0 =	seq.s32 s7, s2  }
0x1e: {  	s7 =	smul.u32 @!p0 $0xF7A, s2;
	p2 =	seq.s32 @!p0 s5, $0x0  }
0x1f: {  	s9 =	smul.u32 $0xF7A, s1;
	s8 =	simm.s32 @!p0 $0x1BF5;
	p2 =	por !p2, p0  }
0x20: {  	[sflag:s8] =	ssyncset.s32 @!p0 $0xFFFFF086;
	s6 =	sadd.s32 @!p0 s3, s7;
	s7 =	simm.s32 @!p0 $0x108  }
0x21: {  	s3 =	sadd.s32 s3, s9;
	s6 =	sadd.s32 @!p0 $0x88, s6;
	s7 =	simm.s32 @p2 $0x1082  }
0x22: {  	[simem:s7], [sflag:s8] =	dma.local @!p0 [hbm:s6], $0xF7A  }
0x23: {  	s9 =	sor.u32 $0xD0000000, s2;
	s6 =	simm.s32 $0x108;
	_ =	swait.ge @!p0 [sflag:s8], $0x0  }
0x24: {  	s3 =	sadd.s32 $0x88, s3;
	s6 =	simm.s32 @!p1 $0x1082;
	[sflag:s4] =	ssyncset.s32 $0xFFFFF086  }
0x25: {  	[simem:s6], [sflag:s4] =	dma.local [hbm:s3], $0xF7A  }
0x26: {  	[smem:$0x3F99] =	sst s1;
	(tag) =	ssettag s2;
	_ =	strace s9  }
0x27: {  	s1 =	sld [smem:$0x3FA9]  }
0x28: {  	s2 =	sld [smem:$0x3FAA]  }
0x29: {  	s4 =	sld [smem:$0x3FAC]  }
0x2a: {  	p0 =	seq.s32 s5, $0x0;
	s5 =	sld [smem:$0x3FAD]  }
0x2b: {  	s6 =	sld [smem:$0x3FAE]  }
0x2c: {  	s7 =	sld [smem:$0x3FAF]  }
0x2d: {  	s3 =	simm.s32 $0x108;
	s8 =	sld [smem:$0x3FB0]  }
0x2e: {  	s3 =	simm.s32 @!p0 $0x1082;
	s9 =	sld [smem:$0x3FB1]  }
0x2f: {  	lr =	sadd.s32 s0, s3;
	s0 =	sld [smem:$0x3FA8]  }
0x30: {  	s3 =	sld [smem:$0x3FAB]  }
0x31: {  	[smem:$0x3FB4] =	sst s10  }
0x32: {  	s10 =	sld [smem:$0x3FB2];
	_ =	sdelay $0x3  }
0x33: {  	p0 =	seq.s32 s10, $0x1;
	s10 =	sld [smem:$0x3FB4];
	_ =	sdelay $0x3  }
0x34: {  	[smem:$0x3FB4] =	sst s10  }
0x35: {  	s10 =	sld [smem:$0x3FB3];
	_ =	sdelay $0x3  }
0x36: {  	p1 =	seq.s32 s10, $0x1;
	s10 =	sld [smem:$0x3FB4];
	_ =	sdelay $0x3  }
0x37: {  	[smem:$0x3FB4] =	sst s10  }
0x38: {  	s10 =	sld [smem:$0x3FB5]  }
0x39: {  	_ = 	snop;
	(pc) =	sbr.ind lr, $3  }
0x3a: {  	_ = 	snop  }
0x3b: {  	_ = 	snop  }
0x3c: {  	p2 =	seq.s32 s10, $0x1;
	s10 =	sld [smem:$0x3FB4]  }
0x3d: {  	_ =	shalt  }
0x3e: {  	_ =	shalt  }
0x3f: {  	_ =	shalt  }
0x40: {  	_ =	shalt  }
0x41: {  	_ =	shalt  }
0x42: {  	_ =	shalt  }
0x43: {  	_ =	shalt  }
0x44: {  	_ =	shalt  }
0x45: {  	_ =	shalt  }
0x46: {  	_ =	shalt  }
0x47: {  	_ =	shalt  }
0x48: {  	_ =	shalt  }
0x49: {  	_ =	shalt  }
0x4a: {  	_ =	shalt  }
0x4b: {  	_ =	shalt  }
0x4c: {  	_ =	shalt  }
0x4d: {  	_ =	shalt  }
0x4e: {  	_ =	shalt  }
0x4f: {  	_ =	shalt  }
0x50: {  	_ =	shalt  }
0x51: {  	_ =	shalt  }
0x52: {  	_ =	shalt  }
0x53: {  	_ =	shalt  }
0x54: {  	_ =	shalt  }
0x55: {  	_ =	shalt  }
0x56: {  	_ =	shalt  }
0x57: {  	_ =	shalt  }
0x58: {  	_ =	shalt  }
0x59: {  	_ =	shalt  }
0x5a: {  	_ =	shalt  }
0x5b: {  	_ =	shalt  }
0x5c: {  	_ =	shalt  }
0x5d: {  	_ =	shalt  }
0x5e: {  	_ =	shalt  }
0x5f: {  	_ =	shalt  }
0x60: {  	_ =	shalt  }
0x61: {  	_ =	shalt  }
0x62: {  	_ =	shalt  }
0x63: {  	_ =	shalt  }
0x64: {  	_ =	shalt  }
0x65: {  	_ =	shalt  }
0x66: {  	_ =	shalt  }
0x67: {  	_ =	shalt  }
0x68: {  	_ =	shalt  }
0x69: {  	_ =	shalt  }
0x6a: {  	_ =	shalt  }
0x6b: {  	_ =	shalt  }
0x6c: {  	_ =	shalt  }
0x6d: {  	_ =	shalt  }
0x6e: {  	_ =	shalt  }
0x6f: {  	_ =	shalt  }
0x70: {  	_ =	shalt  }
0x71: {  	_ =	shalt  }
0x72: {  	_ =	shalt  }
0x73: {  	_ =	shalt  }
0x74: {  	_ =	shalt  }
0x75: {  	_ =	shalt  }
0x76: {  	_ =	shalt  }
0x77: {  	_ =	shalt  }
0x78: {  	_ =	shalt  }
0x79: {  	_ =	shalt  }
0x7a: {  	_ =	shalt  }
0x7b: {  	_ =	shalt  }
0x7c: {  	_ =	shalt  }
0x7d: {  	_ =	shalt  }
0x7e: {  	_ =	shalt  }
0x7f: {  	_ =	shalt  }
0x80: {  	_ =	shalt  }
0x81: {  	_ =	shalt  }
0x82: {  	_ =	shalt  }
0x83: {  	_ =	shalt  }
0x84: {  	_ =	shalt  }
0x85: {  	_ =	shalt  }
0x86: {  	_ =	shalt  }
0x87: {  	_ =	shalt  }
.Lfunc_end0:
.L_simem_size_0:
called_computation.1_lowered:
.L_overlay_start_0:
0x88: {  	s2 =	sld [smem:$0x3FD9]  }
0x89: {  	s3 =	sld [smem:$0x3FFE];
	_ =	sdelay $0x1  }
0x8a: {  	s1 =	srdreg.scid  }
0x8b: {  	s0 =	sand.u32 $0x1, s1  }
0x8c: {  	s17 =	sshll.u32 s0, $0xA;
	s2 =	sadd.s32 s3, s2  }
0x8d: {  	s2 =	sadd.s32 s2, s17  }
0x8e: {  	[smem:$0x3FC0] =	sst s2  }
0x8f: {  	_ = 	snop  }
0x90: {  	s2 =	sld [smem:$0x3FD0];
	(tm) =	ssettm $0x1  }
0x91: {  	s18 =	sld [smem:$0x3FFB];
	_ =	sdelay $0x3  }
0x92: {  	_ =	strace s18  }
0x93: {  	s3 =	sld [smem:$0x3FFC];
	_ =	sdelay $0x3  }
0x94: {  	_ =	strace s3  }
0x95: {  	s3 =	sld [smem:$0x3FFD];
	_ =	sdelay $0x3  }
0x96: {  	_ =	strace s3  }
0x97: {  	_ =	strace $0x8FFFFFFF  }
0x98: {  	s19 =	sld [smem:$0x3FDB];
	_ =	sdelay $0x1  }
0x99: {  	s4 =	simm.s32 $_scs_section_size  }
0x9a: {  	s5 =	simm.s32 $_size__tile_overlayer_lowered;
	s6 =	simm.s32 $_tile_overlayer_lowered  }
0x9b: {  	s22 =	simm.s32 $0x1BFF;
	s21 =	sshll.u32 s6, $0x1;
	s3 =	sadd.s32 s4, s19  }
0x9c: {  	s7 =	simm.s32 $0x0;
	s20 =	sshll.u32 s5, $0x1;
	s5 =	sadd.s32 s21, s3  }
0x9d: {  	[timem:s7], [sflag:s22] =	dma.local [hbm:s5], s20  }
0x9e: {  	_ =	swait.ge [sflag:s22], s20  }
0x9f: {  	s4 =	ssub.s32 $0x0, s20;
	[sflag:s22] =	ssyncset.done $0x0  }
0xa0: {  	[sflag:s22] =	ssyncadd.s32 s4;
	_ =	sdelay $0x1  }
0xa1: {  	s23 =	simm.s32 $0x1B8B  }
0xa2: {  	_ =	swait.ge [sflag:s23], $0x1  }
0xa3: {  	[sflag:s23] =	ssyncset.done $0x0  }
0xa4: {  	s25 =	simm.s32 $0x1B8E;
	s24 =	sld [smem:$0x3FFE];
	[sflag:s23] =	ssyncadd.s32 $0xFFFFFFFF  }
0xa5: {  	s26 =	simm.s32 $execute0_lowered;
	[smem:$0x3FD2] =	sst s25  }
0xa6: {  	s5 =	sshll.u32 s26, $0x1;
	_ =	strace $0x80000049;
	[dreg:$0x1] =	wrdreg $0xFFFFFFFF  }
0xa7: {  	s28 =	simm.s32 $_size_execute0_lowered;
	s3 =	sadd.s32 s3, s5;
	[dreg:$0x0] =	wrdreg $0x0  }
0xa8: {  	s5 =	sshll.u32 s28, $0x1;
	[dreg:$0x2] =	wrdreg s3  }
0xa9: {  	[dreg:$0x3] =	wrdreg s5  }
0xaa: {  	[dreg:$0x4] =	wrdreg $0xC0  }
0xab: {  	_ =	task [dreg:s7], $0x5FFFF  }
0xac: {  	[dreg:$0x1] =	wrdreg $0xFFFFFFFF  }
0xad: {  	[dreg:$0x0] =	wrdreg $0x60  }
0xae: {  	[dreg:$0x2] =	wrdreg s2  }
0xaf: {  	[dreg:$0x3] =	wrdreg s24  }
0xb0: {  	[dreg:$0x4] =	wrdreg $0x0  }
0xb1: {  	[dreg:$0x5] =	wrdreg $0x9  }
0xb2: {  	_ =	task.clear_ibuf [dreg:s7], $0x6FFFF;
	_ =	strace $0x90000049  }
0xb3: {  	s29 =	simm.s32 $0x9;
	_ =	strace $0x8000004B  }
0xb4: {  	_ =	swait.ge [sflag:s29], $0x1  }
0xb5: {  	[sflag:s29] =	ssyncadd.s32 $0xFFFFFFFF  }
0xb6: {  	_ =	strace $0x9000004B  }
0xb7: {  	_ =	sfence  }
0xb8: {  	s30 =	sld [smem:$0x0];
	_ =	sdelay $0x2  }
0xb9: {  	s31 =	sshll.u32 s1, $0xD;
	s1 =	sshrl.u32 s1, $0x2  }
0xba: {  	s3 =	sand.u32 $0x4000, s31;
	s1 =	sadd.s32 s1, s30  }
0xbb: {  	s0 =	sor.u32 s3, s0;
	s1 =	sshll.u32 s1, $0x11  }
0xbc: {  	s0 =	sor.u32 s1, s0  }
0xbd: {  	s0 =	sadd.s32 $0x8F2B, s0  }
0xbe: {  	[sflag:s0] =	ssyncadd.remote.s32 $0x1  }
0xbf: {  	_ =	sfence.sel $0xFFFF  }
0xc0: {  	[dreg:$0x0] =	wrdreg $0xFFFFFFFF;
	(pc) =	sbr.abs _section_cstart, $3  }
0xc1: {  	[dreg:$0x1] =	wrdreg $0xFFFFFFFF  }
0xc2: {  	_ =	task.clear_ibuf [dreg:s7], $0x2FFFF;
	_ =	strace $0x9FFFFFFF  }
0xc3: {  	(tm) =	ssettm $0x7FFFFFFF  }
tec
execute0_lowered:
.L_overlay_start_1:
0x0: {  	(tag) =	ssettag $0x1  }
0x1: {  	s2 =	rddreg [dreg:$0x0]  }
0x2: {  	s0 =	srdreg.scid;
	s6 =	rddreg [dreg:$0x1]  }
0x3: {  	s3 =	rddreg [dreg:$0x2];
	s4 =	simm.s32 $0x0;
	s14 =	simm.s32 $0x3  }
0x4: {  	s15 =	simm.s32 $0x13C00;
	s16 =	simm.s32 $0x15000;
	s17 =	simm.s32 $0x7D  }
0x5: {  	s18 =	simm.s32 $0x16400;
	s19 =	simm.s32 $0x1A400;
	s20 =	simm.s32 $0x1  }
0x6: {  	s21 =	simm.s32 $0x2;
	s22 =	simm.s32 $0x14F80;
	s5 =	sand.u32 $0x1, s0  }
0x7: {  	s23 =	simm.s32 $0x16300;
	s0 =	stileid.u32;
	s8 =	smul.u32 $0x13C000, s5  }
0x8: {  	s24 =	simm.s32 $0x16380;
	[smem:$0x7FF] =	sst s4;
	s9 =	smul.u32 $0x13C00, s0  }
0x9: {  	s1 =	sshll.u32 s5, $0x4;
	s26 =	ssub.s32 $0x2, s5;
	s28 =	smul.u32 $0x4F000, s0  }
0xa: {  	s5 =	sadd.s32 $0x3600, s6;
	s31 =	sshll.u32 s0, $0x6;
	s1 =	sor.u32 s0, s1  }
0xb: {  	s29 =	sshrl.u32 s26, $0x1;
	s7 =	smul.u32 $0x2800, s1;
	s1 =	rddreg [dreg:$0x3]  }
0xc: {  	_ =	strace $0x8000004A;
	s25 =	sadd.s32 s9, s8;
	s30 =	sshrl.u32 s28, $0x2  }
0xd: {  	s12 =	ssub.s32 s26, s29;
	s13 =	sadd.s32 s30, s3;
	s7 =	sshrl.u32 s7, $0x3  }
0xe: {  	s12 =	smax.u32 s12, $0x1;
	s10 =	sadd.s32 s7, s6;
	s7 =	sshrl.u32 s25, $0x3  }
0xf: {  	s13 =	sshrl.u32 s13, $0x3;
	s25 =	simm.s32 $0x0;
	s11 =	sadd.s32 s7, s6  }
0x10: {  	s6 =	sor.u32 $0x1C03, s31;
	s7 =	sadd.s32 $0x54E00, s10;
	s8 =	sadd.s32 $0x5EE00, s10  }
0x11: {  	s9 =	sadd.s32 $0x55080, s10;
	s10 =	sadd.s32 $0x5F080, s10;
	s11 =	sadd.s32 $0x5E00, s11  }
.LBB2_1:
0x12: {  	[spmem:s13], [sflag:s6] =	dma.local [hbm:s5], $0x2780  }
0x13: {  	_ =	swait.ge [sflag:s14], $0x2780  }
0x14: {  	[sflag:s14] =	ssyncset.done $0x0  }
0x15: {  	[sflag:s14] =	ssyncadd.s32 $0xFFFFD880  }
0x16: {  	[bflag:$0x0] =	sbarrier.arrive $0xFFFF  }
0x17: {  	[tilespmem:s15], [sflag:$0x3] =	stream.linear.gather [hbm4b:s7+s4], $0x1400, $0x38;
	[tilespmem:$0x1E400] =	vst v63  }
0x18: {  	_ =	swait.ge [sflag:s14], $0x1400  }
0x19: {  	[sflag:s14] =	ssyncset.done $0x0  }
0x1a: {  	[sflag:s14] =	ssyncadd.s32 $0xFFFFEC00  }
0x1b: {  	[tilespmem:s16], [sflag:$0x3] =	stream.linear.gather [hbm4b:s8+s4], $0x1400, $0x38;
	[tilespmem:$0x1E400] =	vst v63  }
0x1c: {  	_ =	swait.ge [sflag:s14], $0x1400  }
0x1d: {  	[sflag:s14] =	ssyncset.done $0x0  }
0x1e: {  	[sflag:s14] =	ssyncadd.s32 $0xFFFFEC00  }
0x1f: {  	[tilespmem:s18], [sflag:$0x1] =	stream.indirect.gather [hbm4b:s2+s17], $0x80, s15, s17, $0xb8;
	[tilespmem:$0x1E400] =	vst v63  }
0x20: {  	s26 =	simm.s32 $0x13C80  }
0x21: {  	[tilespmem:s19], [sflag:$0x2] =	stream.indirect.gather [hbm4b:s2+s17], $0x80, s26, s17, $0xb8;
	[tilespmem:$0x1E400] =	vst v63  }
0x22: {  	_ =	swait.ge [sflag:s20], $0x3E80  }
0x23: {  	[sflag:s20] =	ssyncset.done $0x0  }
0x24: {  	s29 =	simm.s32 $0x15000;
	[sflag:s20] =	ssyncadd.s32 $0xFFFFC180  }
0x25: {  	[spmem:s3] =	stream.indirect.scatter.add.f32 [tilespmem:s18], [sflag:$0x3], $0x80, s29, s17, $0xb8;
	[tilespmem:$0x1E400] =	vst v63  }
0x26: {  	_ =	swait.ge [sflag:s14], $0x3E80  }
0x27: {  	[sflag:s14] =	ssyncset.done $0x0  }
0x28: {  	s30 =	simm.s32 $0x13D00;
	[sflag:s14] =	ssyncadd.s32 $0xFFFFC180  }
0x29: {  	[tilespmem:s18], [sflag:$0x1] =	stream.indirect.gather [hbm4b:s2+s17], $0x80, s30, s17, $0xb8;
	[tilespmem:$0x1E400] =	vst v63  }
0x2a: {  	_ =	swait.ge [sflag:s21], $0x3E80  }
0x2b: {  	[sflag:s21] =	ssyncset.done $0x0  }
0x2c: {  	s31 =	simm.s32 $0x15080;
	[sflag:s21] =	ssyncadd.s32 $0xFFFFC180  }
0x2d: {  	[spmem:s3] =	stream.indirect.scatter.add.f32 [tilespmem:s19], [sflag:$0x3], $0x80, s31, s17, $0xb8;
	[tilespmem:$0x1E400] =	vst v63  }
0x2e: {  	_ =	swait.ge [sflag:s14], $0x3E80  }
0x2f: {  	s28 =	simm.s32 $0x800;
	s26 =	simm.s32 $0x100;
	[sflag:s14] =	ssyncset.done $0x0  }
.LBB2_2:
0x30: {  	s29 =	sadd.s32 $0x13C80, s26  }
0x31: {  	[sflag:s14] =	ssyncadd.s32 $0xFFFFC180;
	s30 =	smov.u32 s28;
	s31 =	sadd.s32 $0x400, s28  }
0x32: {  	[tilespmem:s19], [sflag:$0x2] =	stream.indirect.gather [hbm4b:s2+s17], $0x80, s29, s17, $0xb8;
	[tilespmem:$0x1E400] =	vst v63  }
0x33: {  	p0 =	sne.s32 s28, $0x4800;
	_ =	swait.ge [sflag:s20], $0x3E80  }
0x34: {  	[sflag:s20] =	ssyncset.done $0x0  }
0x35: {  	s28 =	sadd.s32 $0x15000, s26;
	[sflag:s20] =	ssyncadd.s32 $0xFFFFC180  }
0x36: {  	[spmem:s3] =	stream.indirect.scatter.add.f32 [tilespmem:s18], [sflag:$0x3], $0x80, s28, s17, $0xb8;
	[tilespmem:$0x1E400] =	vst v63  }
0x37: {  	_ =	swait.ge [sflag:s14], $0x3E80  }
0x38: {  	[sflag:s14] =	ssyncset.done $0x0  }
0x39: {  	s28 =	sadd.s32 $0x13D00, s26;
	[sflag:s14] =	ssyncadd.s32 $0xFFFFC180  }
0x3a: {  	[tilespmem:s18], [sflag:$0x1] =	stream.indirect.gather [hbm4b:s2+s17], $0x80, s28, s17, $0xb8;
	[tilespmem:$0x1E400] =	vst v63  }
0x3b: {  	_ =	swait.ge [sflag:s21], $0x3E80  }
.Ltmp0:
0x3c: {  	[sflag:s21] =	ssyncset.done $0x0;
	(pc) =	sbr.rel @p0 .LBB2_2-.Ltmp0, $4  }
0x3d: {  	s26 =	sadd.s32 $0x15080, s26;
	[sflag:s21] =	ssyncadd.s32 $0xFFFFC180  }
0x3e: {  	[spmem:s3] =	stream.indirect.scatter.add.f32 [tilespmem:s19], [sflag:$0x3], $0x80, s26, s17, $0xb8;
	[tilespmem:$0x1E400] =	vst v63  }
0x3f: {  	_ =	swait.ge [sflag:s14], $0x3E80  }
0x40: {  	s28 =	smov.u32 s31;
	s26 =	sshra.s32 s30, $0x2;
	[sflag:s14] =	ssyncset.done $0x0  }
0x41: {  	s28 =	sadd.s32 $0x13C80, s26;
	[sflag:s14] =	ssyncadd.s32 $0xFFFFC180  }
0x42: {  	[tilespmem:s19], [sflag:$0x2] =	stream.indirect.gather [hbm4b:s2+s17], $0x80, s28, s17, $0xb8;
	[tilespmem:$0x1E400] =	vst v63  }
0x43: {  	_ =	swait.ge [sflag:s20], $0x3E80  }
0x44: {  	[sflag:s20] =	ssyncset.done $0x0  }
0x45: {  	s28 =	sadd.s32 $0x15000, s26;
	[sflag:s20] =	ssyncadd.s32 $0xFFFFC180  }
0x46: {  	[spmem:s3] =	stream.indirect.scatter.add.f32 [tilespmem:s18], [sflag:$0x3], $0x80, s28, s17, $0xb8;
	[tilespmem:$0x1E400] =	vst v63  }
0x47: {  	_ =	swait.ge [sflag:s14], $0x3E80  }
0x48: {  	[sflag:s14] =	ssyncset.done $0x0  }
0x49: {  	s28 =	sadd.s32 $0x13D00, s26;
	[sflag:s14] =	ssyncadd.s32 $0xFFFFC180  }
0x4a: {  	[tilespmem:s18], [sflag:$0x1] =	stream.indirect.gather [hbm4b:s2+s17], $0x80, s28, s17, $0xb8;
	[tilespmem:$0x1E400] =	vst v63  }
0x4b: {  	_ =	swait.ge [sflag:s21], $0x3E80  }
0x4c: {  	[sflag:s21] =	ssyncset.done $0x0  }
0x4d: {  	s29 =	sadd.s32 $0x15080, s26;
	[sflag:s21] =	ssyncadd.s32 $0xFFFFC180  }
0x4e: {  	[spmem:s3] =	stream.indirect.scatter.add.f32 [tilespmem:s19], [sflag:$0x3], $0x80, s29, s17, $0xb8;
	[tilespmem:$0x1E400] =	vst v63  }
0x4f: {  	_ =	swait.ge [sflag:s14], $0x3E80  }
0x50: {  	[sflag:s14] =	ssyncset.done $0x0  }
0x51: {  	[sflag:s14] =	ssyncadd.s32 $0xFFFFC180  }
0x52: {  	[tilespmem:s19], [sflag:$0x2] =	stream.indirect.gather [hbm4b:s2+s17], $0x80, s22, s17, $0xb8;
	[tilespmem:$0x1E400] =	vst v63  }
0x53: {  	_ =	swait.ge [sflag:s20], $0x3E80  }
0x54: {  	[sflag:s20] =	ssyncset.done $0x0  }
0x55: {  	[sflag:s20] =	ssyncadd.s32 $0xFFFFC180  }
0x56: {  	[spmem:s3] =	stream.indirect.scatter.add.f32 [tilespmem:s18], [sflag:$0x3], $0x80, s23, s17, $0xb8;
	[tilespmem:$0x1E400] =	vst v63  }
0x57: {  	_ =	swait.ge [sflag:s14], $0x3E80  }
0x58: {  	[sflag:s14] =	ssyncset.done $0x0  }
0x59: {  	[sflag:s14] =	ssyncadd.s32 $0xFFFFC180  }
0x5a: {  	_ =	swait.ge [sflag:s21], $0x3E80  }
0x5b: {  	[sflag:s21] =	ssyncset.done $0x0  }
0x5c: {  	[sflag:s21] =	ssyncadd.s32 $0xFFFFC180  }
0x5d: {  	[spmem:s3] =	stream.indirect.scatter.add.f32 [tilespmem:s19], [sflag:$0x3], $0x80, s24, s17, $0xb8;
	[tilespmem:$0x1E400] =	vst v63  }
0x5e: {  	_ =	swait.ge [sflag:s14], $0x3E80  }
0x5f: {  	[sflag:s14] =	ssyncset.done $0x0  }
0x60: {  	s30 =	simm.s32 $0x0;
	[sflag:s14] =	ssyncadd.s32 $0xFFFFC180  }
0x61: {  	[tilespmem:s15], [sflag:$0x3] =	stream.linear.gather [hbm4b:s9+s30], $0x1400, $0x38;
	[tilespmem:$0x1E400] =	vst v63  }
0x62: {  	_ =	swait.ge [sflag:s14], $0x1400  }
0x63: {  	[sflag:s14] =	ssyncset.done $0x0  }
0x64: {  	[sflag:s14] =	ssyncadd.s32 $0xFFFFEC00  }
0x65: {  	[tilespmem:s16], [sflag:$0x3] =	stream.linear.gather [hbm4b:s10+s30], $0x1400, $0x38;
	[tilespmem:$0x1E400] =	vst v63  }
0x66: {  	_ =	swait.ge [sflag:s14], $0x1400  }
0x67: {  	[sflag:s14] =	ssyncset.done $0x0  }
0x68: {  	[sflag:s14] =	ssyncadd.s32 $0xFFFFEC00  }
0x69: {  	[tilespmem:s18], [sflag:$0x1] =	stream.indirect.gather [hbm4b:s2+s17], $0x80, s15, s17, $0xb8;
	[tilespmem:$0x1E400] =	vst v63  }
0x6a: {  	s31 =	simm.s32 $0x13C80  }
0x6b: {  	[tilespmem:s19], [sflag:$0x2] =	stream.indirect.gather [hbm4b:s2+s17], $0x80, s31, s17, $0xb8;
	[tilespmem:$0x1E400] =	vst v63  }
0x6c: {  	_ =	swait.ge [sflag:s20], $0x3E80  }
0x6d: {  	[sflag:s20] =	ssyncset.done $0x0  }
0x6e: {  	s29 =	simm.s32 $0x15000;
	[sflag:s20] =	ssyncadd.s32 $0xFFFFC180  }
0x6f: {  	[spmem:s3] =	stream.indirect.scatter.add.f32 [tilespmem:s18], [sflag:$0x3], $0x80, s29, s17, $0xb8;
	[tilespmem:$0x1E400] =	vst v63  }
0x70: {  	_ =	swait.ge [sflag:s14], $0x3E80  }
0x71: {  	[sflag:s14] =	ssyncset.done $0x0  }
0x72: {  	s30 =	simm.s32 $0x13D00;
	[sflag:s14] =	ssyncadd.s32 $0xFFFFC180  }
0x73: {  	[tilespmem:s18], [sflag:$0x1] =	stream.indirect.gather [hbm4b:s2+s17], $0x80, s30, s17, $0xb8;
	[tilespmem:$0x1E400] =	vst v63  }
0x74: {  	_ =	swait.ge [sflag:s21], $0x3E80  }
0x75: {  	[sflag:s21] =	ssyncset.done $0x0  }
0x76: {  	s31 =	simm.s32 $0x15080;
	[sflag:s21] =	ssyncadd.s32 $0xFFFFC180  }
0x77: {  	[spmem:s3] =	stream.indirect.scatter.add.f32 [tilespmem:s19], [sflag:$0x3], $0x80, s31, s17, $0xb8;
	[tilespmem:$0x1E400] =	vst v63  }
0x78: {  	_ =	swait.ge [sflag:s14], $0x3E80  }
0x79: {  	s26 =	simm.s32 $0x100;
	s28 =	simm.s32 $0x800;
	[sflag:s14] =	ssyncset.done $0x0  }
.LBB2_4:
0x7a: {  	s29 =	sadd.s32 $0x13C80, s26  }
0x7b: {  	[sflag:s14] =	ssyncadd.s32 $0xFFFFC180;
	s30 =	smov.u32 s28;
	s31 =	sadd.s32 $0x400, s28  }
0x7c: {  	[tilespmem:s19], [sflag:$0x2] =	stream.indirect.gather [hbm4b:s2+s17], $0x80, s29, s17, $0xb8;
	[tilespmem:$0x1E400] =	vst v63  }
0x7d: {  	p0 =	sne.s32 s28, $0x4800;
	_ =	swait.ge [sflag:s20], $0x3E80  }
0x7e: {  	[sflag:s20] =	ssyncset.done $0x0  }
0x7f: {  	s28 =	sadd.s32 $0x15000, s26;
	[sflag:s20] =	ssyncadd.s32 $0xFFFFC180  }
0x80: {  	[spmem:s3] =	stream.indirect.scatter.add.f32 [tilespmem:s18], [sflag:$0x3], $0x80, s28, s17, $0xb8;
	[tilespmem:$0x1E400] =	vst v63  }
0x81: {  	_ =	swait.ge [sflag:s14], $0x3E80  }
0x82: {  	[sflag:s14] =	ssyncset.done $0x0  }
0x83: {  	s28 =	sadd.s32 $0x13D00, s26;
	[sflag:s14] =	ssyncadd.s32 $0xFFFFC180  }
0x84: {  	[tilespmem:s18], [sflag:$0x1] =	stream.indirect.gather [hbm4b:s2+s17], $0x80, s28, s17, $0xb8;
	[tilespmem:$0x1E400] =	vst v63  }
0x85: {  	_ =	swait.ge [sflag:s21], $0x3E80  }
.Ltmp1:
0x86: {  	[sflag:s21] =	ssyncset.done $0x0;
	(pc) =	sbr.rel @p0 .LBB2_4-.Ltmp1, $4  }
0x87: {  	s26 =	sadd.s32 $0x15080, s26;
	[sflag:s21] =	ssyncadd.s32 $0xFFFFC180  }
0x88: {  	[spmem:s3] =	stream.indirect.scatter.add.f32 [tilespmem:s19], [sflag:$0x3], $0x80, s26, s17, $0xb8;
	[tilespmem:$0x1E400] =	vst v63  }
0x89: {  	_ =	swait.ge [sflag:s14], $0x3E80  }
0x8a: {  	s28 =	smov.u32 s31;
	s26 =	sshra.s32 s30, $0x2;
	[sflag:s14] =	ssyncset.done $0x0  }
0x8b: {  	s28 =	sadd.s32 $0x13C80, s26;
	[sflag:s14] =	ssyncadd.s32 $0xFFFFC180  }
0x8c: {  	[tilespmem:s19], [sflag:$0x2] =	stream.indirect.gather [hbm4b:s2+s17], $0x80, s28, s17, $0xb8;
	[tilespmem:$0x1E400] =	vst v63  }
0x8d: {  	_ =	swait.ge [sflag:s20], $0x3E80  }
0x8e: {  	[sflag:s20] =	ssyncset.done $0x0  }
0x8f: {  	s29 =	sadd.s32 $0x15000, s26;
	[sflag:s20] =	ssyncadd.s32 $0xFFFFC180  }
0x90: {  	[spmem:s3] =	stream.indirect.scatter.add.f32 [tilespmem:s18], [sflag:$0x3], $0x80, s29, s17, $0xb8;
	[tilespmem:$0x1E400] =	vst v63  }
0x91: {  	_ =	swait.ge [sflag:s14], $0x3E80  }
0x92: {  	[sflag:s14] =	ssyncset.done $0x0  }
0x93: {  	s30 =	sadd.s32 $0x13D00, s26;
	[sflag:s14] =	ssyncadd.s32 $0xFFFFC180  }
0x94: {  	[tilespmem:s18], [sflag:$0x1] =	stream.indirect.gather [hbm4b:s2+s17], $0x80, s30, s17, $0xb8;
	[tilespmem:$0x1E400] =	vst v63  }
0x95: {  	_ =	swait.ge [sflag:s21], $0x3E80  }
0x96: {  	[sflag:s21] =	ssyncset.done $0x0  }
0x97: {  	s31 =	sadd.s32 $0x15080, s26;
	[sflag:s21] =	ssyncadd.s32 $0xFFFFC180  }
0x98: {  	[spmem:s3] =	stream.indirect.scatter.add.f32 [tilespmem:s19], [sflag:$0x3], $0x80, s31, s17, $0xb8;
	[tilespmem:$0x1E400] =	vst v63  }
0x99: {  	_ =	swait.ge [sflag:s14], $0x3E80  }
0x9a: {  	[sflag:s14] =	ssyncset.done $0x0  }
0x9b: {  	[sflag:s14] =	ssyncadd.s32 $0xFFFFC180  }
0x9c: {  	[tilespmem:s19], [sflag:$0x2] =	stream.indirect.gather [hbm4b:s2+s17], $0x80, s22, s17, $0xb8;
	[tilespmem:$0x1E400] =	vst v63  }
0x9d: {  	_ =	swait.ge [sflag:s20], $0x3E80  }
0x9e: {  	[sflag:s20] =	ssyncset.done $0x0  }
0x9f: {  	[sflag:s20] =	ssyncadd.s32 $0xFFFFC180  }
0xa0: {  	[spmem:s3] =	stream.indirect.scatter.add.f32 [tilespmem:s18], [sflag:$0x3], $0x80, s23, s17, $0xb8;
	[tilespmem:$0x1E400] =	vst v63  }
0xa1: {  	_ =	swait.ge [sflag:s14], $0x3E80  }
0xa2: {  	[sflag:s14] =	ssyncset.done $0x0  }
0xa3: {  	[sflag:s14] =	ssyncadd.s32 $0xFFFFC180  }
0xa4: {  	_ =	swait.ge [sflag:s21], $0x3E80  }
0xa5: {  	[sflag:s21] =	ssyncset.done $0x0  }
0xa6: {  	[sflag:s21] =	ssyncadd.s32 $0xFFFFC180  }
0xa7: {  	[spmem:s3] =	stream.indirect.scatter.add.f32 [tilespmem:s19], [sflag:$0x3], $0x80, s24, s17, $0xb8;
	[tilespmem:$0x1E400] =	vst v63  }
0xa8: {  	_ =	swait.ge [sflag:s14], $0x3E80  }
0xa9: {  	s25 =	sadd.s32 $0x1, s25;
	[sflag:s14] =	ssyncset.done $0x0  }
0xaa: {  	p0 =	sne.s32 s25, s12;
	[sflag:s14] =	ssyncadd.s32 $0xFFFFC180  }
.Ltmp2:
0xab: {  	[bflag:$0x0] =	sbarrier.arrive $0xFFFF;
	(pc) =	sbr.rel @p0 .LBB2_1-.Ltmp2, $4  }
0xac: {  	[hbm:s11], [sflag:s6] =	dma.local [spmem:s13], $0x2780  }
0xad: {  	_ =	swait.ge [sflag:s14], $0x2780  }
0xae: {  	[sflag:s14] =	ssyncset.done $0x0  }
0xaf: {  	[sflag:s14] =	ssyncadd.s32 $0xFFFFD880  }
0xb0: {  	_ =	sfence.sel $0x180000  }
0xb1: {  	[bflag:$0x0] =	sbarrier.arrive $0xFFFF  }
0xb2: {  	p0 =	sne.s32 s0, $0x0;
	_ =	strace $0x9000004A  }
0xb3: {  	s0 =	sadd.s32 @!p0 $0x100000, s1;
	[bflag:$0x2] =	sbarrier.arrive $0xFFFF  }
0xb4: {  	[sflag:s0] =	ssyncadd.tile.s32 @!p0 $0x1;
	_ =	shalt  }
.Lfunc_end2:
_tile_overlayer_lowered:
.L_overlay_start_2:
0xb5: {  	(tag) =	ssettag $0x2  }
0xb6: {  	s0 =	rddreg [dreg:$0x0];
	s2 =	stileid.u32  }
0xb7: {  	s1 =	rddreg [dreg:$0x1];
	p0 =	sne.s32 s2, $0x0  }
0xb8: {  	s3 =	rddreg [dreg:$0x2];
	[bflag:$0x3] =	sbarrier.arrive $0xFFFF;
	s2 =	simm.s32 @!p0 $0x1C03  }
0xb9: {  	[timem:s3], [sflag:s2] =	dma.local @!p0 [hbm:s0], s1  }
0xba: {  	s0 =	simm.s32 @!p0 $0x3  }
0xbb: {  	_ =	swait.ge @!p0 [sflag:s0], s1  }
0xbc: {  	s1 =	ssub.s32 @!p0 $0x0, s1;
	[sflag:s0] =	ssyncset.done @!p0 $0x0  }
0xbd: {  	[sflag:s0] =	ssyncadd.s32 @!p0 s1  }
0xbe: {  	[bflag:$0x3] =	sbarrier.arrive $0xFFFF  }
0xbf: {  	_ =	shalt  }

// kernel: kernel.14.cloned.1.call-start
scs
__scs_entry_jumppad:
0x0: {  	(pc) =	sbr.rel $0x88, $3  }
0x1: {  	(tag) =	ssettag $0x0;
	lr =	simm.s32 $0x1  }
0x2: {  	[smem:$0x3F99] =	sst lr;
	_ =	strace $0xD0000000  }
0x3: {  	_ = 	snop  }
0x4: {  	_ = 	snop  }
0x5: {  	_ = 	snop  }
0x6: {  	_ = 	snop  }
0x7: {  	_ = 	snop  }
__scs_overlays_trampoline_lowered:
0x8: {  	[smem:$0x3FA8] =	sst s0  }
0x9: {  	[smem:$0x3FA9] =	sst s1  }
0xa: {  	[smem:$0x3FAA] =	sst s2  }
0xb: {  	[smem:$0x3FAB] =	sst s3  }
0xc: {  	[smem:$0x3FAC] =	sst s4  }
0xd: {  	[smem:$0x3FAD] =	sst s5  }
0xe: {  	[smem:$0x3FAE] =	sst s6  }
0xf: {  	[smem:$0x3FAF] =	sst s7  }
0x10: {  	[smem:$0x3FB0] =	sst s8  }
0x11: {  	[smem:$0x3FB1] =	sst s9;
	s0 =	simm.s32 @!p0 $0x0  }
0x12: {  	s1 =	sld [smem:$0x3F97];
	s0 =	simm.s32 @p0 $0x1  }
0x13: {  	[smem:$0x3FB2] =	sst s0;
	s0 =	simm.s32 @!p1 $0x0  }
0x14: {  	s2 =	sld [smem:$0x3F96];
	s0 =	simm.s32 @p1 $0x1  }
0x15: {  	[smem:$0x3FB3] =	sst s0;
	s0 =	simm.s32 @!p2 $0x0  }
0x16: {  	s3 =	sld [smem:$0x3FDB];
	s0 =	simm.s32 @p2 $0x1  }
0x17: {  	s4 =	simm.s32 $0x1BF5;
	[smem:$0x3FB5] =	sst s0  }
0x18: {  	s0 =	sld [smem:$0x3F98];
	_ =	swait.ge [sflag:s4], $0x0  }
0x19: {  	s7 =	sld [smem:$0x3F99]  }
0x1a: {  	s8 =	sadd.s32 $0xFFFFE003, lr  }
0x1b: {  	s9 =	sadd.s32 $0xFFFFFEF7, lr;
	s5 =	simm.s32 $0xFFFFFFFF;
	p2 =	slt.u32 s8, $0xFFFFF086  }
0x1c: {  	p1 =	slt.u32 s9, $0xF7A;
	s5 =	simm.s32 @!p2 $0x0  }
0x1d: {  	s5 =	simm.s32 @p1 $0x1;
	p0 =	seq.s32 s7, s2  }
0x1e: {  	s7 =	smul.u32 @!p0 $0xF7A, s2;
	p2 =	seq.s32 @!p0 s5, $0x0  }
0x1f: {  	s9 =	smul.u32 $0xF7A, s1;
	s8 =	simm.s32 @!p0 $0x1BF5;
	p2 =	por !p2, p0  }
0x20: {  	[sflag:s8] =	ssyncset.s32 @!p0 $0xFFFFF086;
	s6 =	sadd.s32 @!p0 s3, s7;
	s7 =	simm.s32 @!p0 $0x108  }
0x21: {  	s3 =	sadd.s32 s3, s9;
	s6 =	sadd.s32 @!p0 $0x88, s6;
	s7 =	simm.s32 @p2 $0x1082  }
0x22: {  	[simem:s7], [sflag:s8] =	dma.local @!p0 [hbm:s6], $0xF7A  }
0x23: {  	s9 =	sor.u32 $0xD0000000, s2;
	s6 =	simm.s32 $0x108;
	_ =	swait.ge @!p0 [sflag:s8], $0x0  }
0x24: {  	s3 =	sadd.s32 $0x88, s3;
	s6 =	simm.s32 @!p1 $0x1082;
	[sflag:s4] =	ssyncset.s32 $0xFFFFF086  }
0x25: {  	[simem:s6], [sflag:s4] =	dma.local [hbm:s3], $0xF7A  }
0x26: {  	[smem:$0x3F99] =	sst s1;
	(tag) =	ssettag s2;
	_ =	strace s9  }
0x27: {  	s1 =	sld [smem:$0x3FA9]  }
0x28: {  	s2 =	sld [smem:$0x3FAA]  }
0x29: {  	s4 =	sld [smem:$0x3FAC]  }
0x2a: {  	p0 =	seq.s32 s5, $0x0;
	s5 =	sld [smem:$0x3FAD]  }
0x2b: {  	s6 =	sld [smem:$0x3FAE]  }
0x2c: {  	s7 =	sld [smem:$0x3FAF]  }
0x2d: {  	s3 =	simm.s32 $0x108;
	s8 =	sld [smem:$0x3FB0]  }
0x2e: {  	s3 =	simm.s32 @!p0 $0x1082;
	s9 =	sld [smem:$0x3FB1]  }
0x2f: {  	lr =	sadd.s32 s0, s3;
	s0 =	sld [smem:$0x3FA8]  }
0x30: {  	s3 =	sld [smem:$0x3FAB]  }
0x31: {  	[smem:$0x3FB4] =	sst s10  }
0x32: {  	s10 =	sld [smem:$0x3FB2];
	_ =	sdelay $0x3  }
0x33: {  	p0 =	seq.s32 s10, $0x1;
	s10 =	sld [smem:$0x3FB4];
	_ =	sdelay $0x3  }
0x34: {  	[smem:$0x3FB4] =	sst s10  }
0x35: {  	s10 =	sld [smem:$0x3FB3];
	_ =	sdelay $0x3  }
0x36: {  	p1 =	seq.s32 s10, $0x1;
	s10 =	sld [smem:$0x3FB4];
	_ =	sdelay $0x3  }
0x37: {  	[smem:$0x3FB4] =	sst s10  }
0x38: {  	s10 =	sld [smem:$0x3FB5]  }
0x39: {  	_ = 	snop;
	(pc) =	sbr.ind lr, $3  }
0x3a: {  	_ = 	snop  }
0x3b: {  	_ = 	snop  }
0x3c: {  	p2 =	seq.s32 s10, $0x1;
	s10 =	sld [smem:$0x3FB4]  }
0x3d: {  	_ =	shalt  }
0x3e: {  	_ =	shalt  }
0x3f: {  	_ =	shalt  }
0x40: {  	_ =	shalt  }
0x41: {  	_ =	shalt  }
0x42: {  	_ =	shalt  }
0x43: {  	_ =	shalt  }
0x44: {  	_ =	shalt  }
0x45: {  	_ =	shalt  }
0x46: {  	_ =	shalt  }
0x47: {  	_ =	shalt  }
0x48: {  	_ =	shalt  }
0x49: {  	_ =	shalt  }
0x4a: {  	_ =	shalt  }
0x4b: {  	_ =	shalt  }
0x4c: {  	_ =	shalt  }
0x4d: {  	_ =	shalt  }
0x4e: {  	_ =	shalt  }
0x4f: {  	_ =	shalt  }
0x50: {  	_ =	shalt  }
0x51: {  	_ =	shalt  }
0x52: {  	_ =	shalt  }
0x53: {  	_ =	shalt  }
0x54: {  	_ =	shalt  }
0x55: {  	_ =	shalt  }
0x56: {  	_ =	shalt  }
0x57: {  	_ =	shalt  }
0x58: {  	_ =	shalt  }
0x59: {  	_ =	shalt  }
0x5a: {  	_ =	shalt  }
0x5b: {  	_ =	shalt  }
0x5c: {  	_ =	shalt  }
0x5d: {  	_ =	shalt  }
0x5e: {  	_ =	shalt  }
0x5f: {  	_ =	shalt  }
0x60: {  	_ =	shalt  }
0x61: {  	_ =	shalt  }
0x62: {  	_ =	shalt  }
0x63: {  	_ =	shalt  }
0x64: {  	_ =	shalt  }
0x65: {  	_ =	shalt  }
0x66: {  	_ =	shalt  }
0x67: {  	_ =	shalt  }
0x68: {  	_ =	shalt  }
0x69: {  	_ =	shalt  }
0x6a: {  	_ =	shalt  }
0x6b: {  	_ =	shalt  }
0x6c: {  	_ =	shalt  }
0x6d: {  	_ =	shalt  }
0x6e: {  	_ =	shalt  }
0x6f: {  	_ =	shalt  }
0x70: {  	_ =	shalt  }
0x71: {  	_ =	shalt  }
0x72: {  	_ =	shalt  }
0x73: {  	_ =	shalt  }
0x74: {  	_ =	shalt  }
0x75: {  	_ =	shalt  }
0x76: {  	_ =	shalt  }
0x77: {  	_ =	shalt  }
0x78: {  	_ =	shalt  }
0x79: {  	_ =	shalt  }
0x7a: {  	_ =	shalt  }
0x7b: {  	_ =	shalt  }
0x7c: {  	_ =	shalt  }
0x7d: {  	_ =	shalt  }
0x7e: {  	_ =	shalt  }
0x7f: {  	_ =	shalt  }
0x80: {  	_ =	shalt  }
0x81: {  	_ =	shalt  }
0x82: {  	_ =	shalt  }
0x83: {  	_ =	shalt  }
0x84: {  	_ =	shalt  }
0x85: {  	_ =	shalt  }
0x86: {  	_ =	shalt  }
0x87: {  	_ =	shalt  }
.Lfunc_end0:
.L_simem_size_0:
called_computation.2_lowered:
.L_overlay_start_0:
0x88: {  	s2 =	sld [smem:$0x3FD9]  }
0x89: {  	s3 =	sld [smem:$0x3FFE];
	_ =	sdelay $0x1  }
0x8a: {  	s1 =	srdreg.scid  }
0x8b: {  	s0 =	sand.u32 $0x1, s1  }
0x8c: {  	s17 =	sshll.u32 s0, $0xA;
	s2 =	sadd.s32 s3, s2  }
0x8d: {  	s2 =	sadd.s32 s2, s17  }
0x8e: {  	[smem:$0x3FC0] =	sst s2  }
0x8f: {  	_ = 	snop  }
0x90: {  	s2 =	sld [smem:$0x3FD0];
	(tm) =	ssettm $0x1  }
0x91: {  	s18 =	sld [smem:$0x3FFB];
	_ =	sdelay $0x3  }
0x92: {  	_ =	strace s18  }
0x93: {  	s3 =	sld [smem:$0x3FFC];
	_ =	sdelay $0x3  }
0x94: {  	_ =	strace s3  }
0x95: {  	s3 =	sld [smem:$0x3FFD];
	_ =	sdelay $0x3  }
0x96: {  	_ =	strace s3  }
0x97: {  	_ =	strace $0x8FFFFFFF  }
0x98: {  	s19 =	sld [smem:$0x3FDB];
	_ =	sdelay $0x1  }
0x99: {  	s4 =	simm.s32 $_scs_section_size  }
0x9a: {  	s5 =	simm.s32 $_size__tile_overlayer_lowered;
	s6 =	simm.s32 $_tile_overlayer_lowered  }
0x9b: {  	s22 =	simm.s32 $0x1BFF;
	s21 =	sshll.u32 s6, $0x1;
	s3 =	sadd.s32 s4, s19  }
0x9c: {  	s7 =	simm.s32 $0x0;
	s20 =	sshll.u32 s5, $0x1;
	s5 =	sadd.s32 s21, s3  }
0x9d: {  	[timem:s7], [sflag:s22] =	dma.local [hbm:s5], s20  }
0x9e: {  	_ =	swait.ge [sflag:s22], s20  }
0x9f: {  	s4 =	ssub.s32 $0x0, s20;
	[sflag:s22] =	ssyncset.done $0x0  }
0xa0: {  	[sflag:s22] =	ssyncadd.s32 s4;
	_ =	sdelay $0x1  }
0xa1: {  	s23 =	simm.s32 $0x1B8B  }
0xa2: {  	_ =	swait.ge [sflag:s23], $0x1  }
0xa3: {  	[sflag:s23] =	ssyncset.done $0x0  }
0xa4: {  	s25 =	simm.s32 $0x1B8E;
	s24 =	sld [smem:$0x3FFE];
	[sflag:s23] =	ssyncadd.s32 $0xFFFFFFFF  }
0xa5: {  	s26 =	simm.s32 $execute0_lowered;
	[smem:$0x3FD2] =	sst s25  }
0xa6: {  	s5 =	sshll.u32 s26, $0x1;
	_ =	strace $0x8000004C;
	[dreg:$0x1] =	wrdreg $0xFFFFFFFF  }
0xa7: {  	s28 =	simm.s32 $_size_execute0_lowered;
	s3 =	sadd.s32 s3, s5;
	[dreg:$0x0] =	wrdreg $0x0  }
0xa8: {  	s5 =	sshll.u32 s28, $0x1;
	[dreg:$0x2] =	wrdreg s3  }
0xa9: {  	[dreg:$0x3] =	wrdreg s5  }
0xaa: {  	[dreg:$0x4] =	wrdreg $0xC0  }
0xab: {  	_ =	task [dreg:s7], $0x5FFFF  }
0xac: {  	[dreg:$0x1] =	wrdreg $0xFFFFFFFF  }
0xad: {  	[dreg:$0x0] =	wrdreg $0x60  }
0xae: {  	[dreg:$0x2] =	wrdreg s2  }
0xaf: {  	[dreg:$0x3] =	wrdreg s24  }
0xb0: {  	[dreg:$0x4] =	wrdreg $0x0  }
0xb1: {  	[dreg:$0x5] =	wrdreg $0x9  }
0xb2: {  	_ =	task.clear_ibuf [dreg:s7], $0x6FFFF;
	_ =	strace $0x9000004C  }
0xb3: {  	s29 =	simm.s32 $0x9;
	_ =	strace $0x8000004E  }
0xb4: {  	_ =	swait.ge [sflag:s29], $0x1  }
0xb5: {  	[sflag:s29] =	ssyncadd.s32 $0xFFFFFFFF  }
0xb6: {  	_ =	strace $0x9000004E  }
0xb7: {  	_ =	sfence  }
0xb8: {  	s30 =	sld [smem:$0x0];
	_ =	sdelay $0x2  }
0xb9: {  	s31 =	sshll.u32 s1, $0xD;
	s1 =	sshrl.u32 s1, $0x2  }
0xba: {  	s3 =	sand.u32 $0x4000, s31;
	s1 =	sadd.s32 s1, s30  }
0xbb: {  	s0 =	sor.u32 s3, s0;
	s1 =	sshll.u32 s1, $0x11  }
0xbc: {  	s0 =	sor.u32 s1, s0  }
0xbd: {  	s0 =	sadd.s32 $0x8F2B, s0  }
0xbe: {  	[sflag:s0] =	ssyncadd.remote.s32 $0x1  }
0xbf: {  	_ =	sfence.sel $0xFFFF  }
0xc0: {  	[dreg:$0x0] =	wrdreg $0xFFFFFFFF;
	(pc) =	sbr.abs _section_cstart, $3  }
0xc1: {  	[dreg:$0x1] =	wrdreg $0xFFFFFFFF  }
0xc2: {  	_ =	task.clear_ibuf [dreg:s7], $0x2FFFF;
	_ =	strace $0x9FFFFFFF  }
0xc3: {  	(tm) =	ssettm $0x7FFFFFFF  }
tec
execute0_lowered:
.L_overlay_start_1:
0x0: {  	(tag) =	ssettag $0x1  }
0x1: {  	s2 =	rddreg [dreg:$0x0]  }
0x2: {  	s0 =	srdreg.scid;
	s6 =	rddreg [dreg:$0x1]  }
0x3: {  	s3 =	rddreg [dreg:$0x2];
	s4 =	simm.s32 $0x0;
	s14 =	simm.s32 $0x3  }
0x4: {  	s15 =	simm.s32 $0x13C00;
	s16 =	simm.s32 $0x15000;
	s17 =	simm.s32 $0x7D  }
0x5: {  	s18 =	simm.s32 $0x16400;
	s19 =	simm.s32 $0x1A400;
	s20 =	simm.s32 $0x1  }
0x6: {  	s21 =	simm.s32 $0x2;
	s22 =	simm.s32 $0x14F80;
	s5 =	sand.u32 $0x1, s0  }
0x7: {  	s23 =	simm.s32 $0x16300;
	s0 =	stileid.u32;
	s8 =	smul.u32 $0x13C000, s5  }
0x8: {  	s24 =	simm.s32 $0x16380;
	[smem:$0x7FF] =	sst s4;
	s9 =	smul.u32 $0x13C00, s0  }
0x9: {  	s1 =	sshll.u32 s5, $0x4;
	s26 =	ssub.s32 $0x2, s5;
	s28 =	smul.u32 $0x4F000, s0  }
0xa: {  	s5 =	sadd.s32 $0x3600, s6;
	s31 =	sshll.u32 s0, $0x6;
	s1 =	sor.u32 s0, s1  }
0xb: {  	s29 =	sshrl.u32 s26, $0x1;
	s7 =	smul.u32 $0x2800, s1;
	s1 =	rddreg [dreg:$0x3]  }
0xc: {  	_ =	strace $0x8000004D;
	s25 =	sadd.s32 s9, s8;
	s30 =	sshrl.u32 s28, $0x2  }
0xd: {  	s12 =	ssub.s32 s26, s29;
	s13 =	sadd.s32 s30, s3;
	s7 =	sshrl.u32 s7, $0x3  }
0xe: {  	s12 =	smax.u32 s12, $0x1;
	s10 =	sadd.s32 s7, s6;
	s7 =	sshrl.u32 s25, $0x3  }
0xf: {  	s13 =	sshrl.u32 s13, $0x3;
	s25 =	simm.s32 $0x0;
	s11 =	sadd.s32 s7, s6  }
0x10: {  	s6 =	sor.u32 $0x1C03, s31;
	s7 =	sadd.s32 $0x54E00, s10;
	s8 =	sadd.s32 $0x5EE00, s10  }
0x11: {  	s9 =	sadd.s32 $0x55080, s10;
	s10 =	sadd.s32 $0x5F080, s10;
	s11 =	sadd.s32 $0x5E00, s11  }
.LBB2_1:
0x12: {  	[spmem:s13], [sflag:s6] =	dma.local [hbm:s5], $0x2780  }
0x13: {  	_ =	swait.ge [sflag:s14], $0x2780  }
0x14: {  	[sflag:s14] =	ssyncset.done $0x0  }
0x15: {  	[sflag:s14] =	ssyncadd.s32 $0xFFFFD880  }
0x16: {  	[bflag:$0x0] =	sbarrier.arrive $0xFFFF  }
0x17: {  	[tilespmem:s15], [sflag:$0x3] =	stream.linear.gather [hbm4b:s7+s4], $0x1400, $0x38;
	[tilespmem:$0x1E400] =	vst v63  }
0x18: {  	_ =	swait.ge [sflag:s14], $0x1400  }
0x19: {  	[sflag:s14] =	ssyncset.done $0x0  }
0x1a: {  	[sflag:s14] =	ssyncadd.s32 $0xFFFFEC00  }
0x1b: {  	[tilespmem:s16], [sflag:$0x3] =	stream.linear.gather [hbm4b:s8+s4], $0x1400, $0x38;
	[tilespmem:$0x1E400] =	vst v63  }
0x1c: {  	_ =	swait.ge [sflag:s14], $0x1400  }
0x1d: {  	[sflag:s14] =	ssyncset.done $0x0  }
0x1e: {  	[sflag:s14] =	ssyncadd.s32 $0xFFFFEC00  }
0x1f: {  	[tilespmem:s18], [sflag:$0x1] =	stream.indirect.gather [hbm4b:s2+s17], $0x80, s15, s17, $0xb8;
	[tilespmem:$0x1E400] =	vst v63  }
0x20: {  	s26 =	simm.s32 $0x13C80  }
0x21: {  	[tilespmem:s19], [sflag:$0x2] =	stream.indirect.gather [hbm4b:s2+s17], $0x80, s26, s17, $0xb8;
	[tilespmem:$0x1E400] =	vst v63  }
0x22: {  	_ =	swait.ge [sflag:s20], $0x3E80  }
0x23: {  	[sflag:s20] =	ssyncset.done $0x0  }
0x24: {  	s29 =	simm.s32 $0x15000;
	[sflag:s20] =	ssyncadd.s32 $0xFFFFC180  }
0x25: {  	[spmem:s3] =	stream.indirect.scatter.add.f32 [tilespmem:s18], [sflag:$0x3], $0x80, s29, s17, $0xb8;
	[tilespmem:$0x1E400] =	vst v63  }
0x26: {  	_ =	swait.ge [sflag:s14], $0x3E80  }
0x27: {  	[sflag:s14] =	ssyncset.done $0x0  }
0x28: {  	s30 =	simm.s32 $0x13D00;
	[sflag:s14] =	ssyncadd.s32 $0xFFFFC180  }
0x29: {  	[tilespmem:s18], [sflag:$0x1] =	stream.indirect.gather [hbm4b:s2+s17], $0x80, s30, s17, $0xb8;
	[tilespmem:$0x1E400] =	vst v63  }
0x2a: {  	_ =	swait.ge [sflag:s21], $0x3E80  }
0x2b: {  	[sflag:s21] =	ssyncset.done $0x0  }
0x2c: {  	s31 =	simm.s32 $0x15080;
	[sflag:s21] =	ssyncadd.s32 $0xFFFFC180  }
0x2d: {  	[spmem:s3] =	stream.indirect.scatter.add.f32 [tilespmem:s19], [sflag:$0x3], $0x80, s31, s17, $0xb8;
	[tilespmem:$0x1E400] =	vst v63  }
0x2e: {  	_ =	swait.ge [sflag:s14], $0x3E80  }
0x2f: {  	s28 =	simm.s32 $0x800;
	s26 =	simm.s32 $0x100;
	[sflag:s14] =	ssyncset.done $0x0  }
.LBB2_2:
0x30: {  	s29 =	sadd.s32 $0x13C80, s26  }
0x31: {  	[sflag:s14] =	ssyncadd.s32 $0xFFFFC180;
	s30 =	smov.u32 s28;
	s31 =	sadd.s32 $0x400, s28  }
0x32: {  	[tilespmem:s19], [sflag:$0x2] =	stream.indirect.gather [hbm4b:s2+s17], $0x80, s29, s17, $0xb8;
	[tilespmem:$0x1E400] =	vst v63  }
0x33: {  	p0 =	sne.s32 s28, $0x4800;
	_ =	swait.ge [sflag:s20], $0x3E80  }
0x34: {  	[sflag:s20] =	ssyncset.done $0x0  }
0x35: {  	s28 =	sadd.s32 $0x15000, s26;
	[sflag:s20] =	ssyncadd.s32 $0xFFFFC180  }
0x36: {  	[spmem:s3] =	stream.indirect.scatter.add.f32 [tilespmem:s18], [sflag:$0x3], $0x80, s28, s17, $0xb8;
	[tilespmem:$0x1E400] =	vst v63  }
0x37: {  	_ =	swait.ge [sflag:s14], $0x3E80  }
0x38: {  	[sflag:s14] =	ssyncset.done $0x0  }
0x39: {  	s28 =	sadd.s32 $0x13D00, s26;
	[sflag:s14] =	ssyncadd.s32 $0xFFFFC180  }
0x3a: {  	[tilespmem:s18], [sflag:$0x1] =	stream.indirect.gather [hbm4b:s2+s17], $0x80, s28, s17, $0xb8;
	[tilespmem:$0x1E400] =	vst v63  }
0x3b: {  	_ =	swait.ge [sflag:s21], $0x3E80  }
.Ltmp0:
0x3c: {  	[sflag:s21] =	ssyncset.done $0x0;
	(pc) =	sbr.rel @p0 .LBB2_2-.Ltmp0, $4  }
0x3d: {  	s26 =	sadd.s32 $0x15080, s26;
	[sflag:s21] =	ssyncadd.s32 $0xFFFFC180  }
0x3e: {  	[spmem:s3] =	stream.indirect.scatter.add.f32 [tilespmem:s19], [sflag:$0x3], $0x80, s26, s17, $0xb8;
	[tilespmem:$0x1E400] =	vst v63  }
0x3f: {  	_ =	swait.ge [sflag:s14], $0x3E80  }
0x40: {  	s28 =	smov.u32 s31;
	s26 =	sshra.s32 s30, $0x2;
	[sflag:s14] =	ssyncset.done $0x0  }
0x41: {  	s28 =	sadd.s32 $0x13C80, s26;
	[sflag:s14] =	ssyncadd.s32 $0xFFFFC180  }
0x42: {  	[tilespmem:s19], [sflag:$0x2] =	stream.indirect.gather [hbm4b:s2+s17], $0x80, s28, s17, $0xb8;
	[tilespmem:$0x1E400] =	vst v63  }
0x43: {  	_ =	swait.ge [sflag:s20], $0x3E80  }
0x44: {  	[sflag:s20] =	ssyncset.done $0x0  }
0x45: {  	s28 =	sadd.s32 $0x15000, s26;
	[sflag:s20] =	ssyncadd.s32 $0xFFFFC180  }
0x46: {  	[spmem:s3] =	stream.indirect.scatter.add.f32 [tilespmem:s18], [sflag:$0x3], $0x80, s28, s17, $0xb8;
	[tilespmem:$0x1E400] =	vst v63  }
0x47: {  	_ =	swait.ge [sflag:s14], $0x3E80  }
0x48: {  	[sflag:s14] =	ssyncset.done $0x0  }
0x49: {  	s28 =	sadd.s32 $0x13D00, s26;
	[sflag:s14] =	ssyncadd.s32 $0xFFFFC180  }
0x4a: {  	[tilespmem:s18], [sflag:$0x1] =	stream.indirect.gather [hbm4b:s2+s17], $0x80, s28, s17, $0xb8;
	[tilespmem:$0x1E400] =	vst v63  }
0x4b: {  	_ =	swait.ge [sflag:s21], $0x3E80  }
0x4c: {  	[sflag:s21] =	ssyncset.done $0x0  }
0x4d: {  	s29 =	sadd.s32 $0x15080, s26;
	[sflag:s21] =	ssyncadd.s32 $0xFFFFC180  }
0x4e: {  	[spmem:s3] =	stream.indirect.scatter.add.f32 [tilespmem:s19], [sflag:$0x3], $0x80, s29, s17, $0xb8;
	[tilespmem:$0x1E400] =	vst v63  }
0x4f: {  	_ =	swait.ge [sflag:s14], $0x3E80  }
0x50: {  	[sflag:s14] =	ssyncset.done $0x0  }
0x51: {  	[sflag:s14] =	ssyncadd.s32 $0xFFFFC180  }
0x52: {  	[tilespmem:s19], [sflag:$0x2] =	stream.indirect.gather [hbm4b:s2+s17], $0x80, s22, s17, $0xb8;
	[tilespmem:$0x1E400] =	vst v63  }
0x53: {  	_ =	swait.ge [sflag:s20], $0x3E80  }
0x54: {  	[sflag:s20] =	ssyncset.done $0x0  }
0x55: {  	[sflag:s20] =	ssyncadd.s32 $0xFFFFC180  }
0x56: {  	[spmem:s3] =	stream.indirect.scatter.add.f32 [tilespmem:s18], [sflag:$0x3], $0x80, s23, s17, $0xb8;
	[tilespmem:$0x1E400] =	vst v63  }
0x57: {  	_ =	swait.ge [sflag:s14], $0x3E80  }
0x58: {  	[sflag:s14] =	ssyncset.done $0x0  }
0x59: {  	[sflag:s14] =	ssyncadd.s32 $0xFFFFC180  }
0x5a: {  	_ =	swait.ge [sflag:s21], $0x3E80  }
0x5b: {  	[sflag:s21] =	ssyncset.done $0x0  }
0x5c: {  	[sflag:s21] =	ssyncadd.s32 $0xFFFFC180  }
0x5d: {  	[spmem:s3] =	stream.indirect.scatter.add.f32 [tilespmem:s19], [sflag:$0x3], $0x80, s24, s17, $0xb8;
	[tilespmem:$0x1E400] =	vst v63  }
0x5e: {  	_ =	swait.ge [sflag:s14], $0x3E80  }
0x5f: {  	[sflag:s14] =	ssyncset.done $0x0  }
0x60: {  	s30 =	simm.s32 $0x0;
	[sflag:s14] =	ssyncadd.s32 $0xFFFFC180  }
0x61: {  	[tilespmem:s15], [sflag:$0x3] =	stream.linear.gather [hbm4b:s9+s30], $0x1400, $0x38;
	[tilespmem:$0x1E400] =	vst v63  }
0x62: {  	_ =	swait.ge [sflag:s14], $0x1400  }
0x63: {  	[sflag:s14] =	ssyncset.done $0x0  }
0x64: {  	[sflag:s14] =	ssyncadd.s32 $0xFFFFEC00  }
0x65: {  	[tilespmem:s16], [sflag:$0x3] =	stream.linear.gather [hbm4b:s10+s30], $0x1400, $0x38;
	[tilespmem:$0x1E400] =	vst v63  }
0x66: {  	_ =	swait.ge [sflag:s14], $0x1400  }
0x67: {  	[sflag:s14] =	ssyncset.done $0x0  }
0x68: {  	[sflag:s14] =	ssyncadd.s32 $0xFFFFEC00  }
0x69: {  	[tilespmem:s18], [sflag:$0x1] =	stream.indirect.gather [hbm4b:s2+s17], $0x80, s15, s17, $0xb8;
	[tilespmem:$0x1E400] =	vst v63  }
0x6a: {  	s31 =	simm.s32 $0x13C80  }
0x6b: {  	[tilespmem:s19], [sflag:$0x2] =	stream.indirect.gather [hbm4b:s2+s17], $0x80, s31, s17, $0xb8;
	[tilespmem:$0x1E400] =	vst v63  }
0x6c: {  	_ =	swait.ge [sflag:s20], $0x3E80  }
0x6d: {  	[sflag:s20] =	ssyncset.done $0x0  }
0x6e: {  	s29 =	simm.s32 $0x15000;
	[sflag:s20] =	ssyncadd.s32 $0xFFFFC180  }
0x6f: {  	[spmem:s3] =	stream.indirect.scatter.add.f32 [tilespmem:s18], [sflag:$0x3], $0x80, s29, s17, $0xb8;
	[tilespmem:$0x1E400] =	vst v63  }
0x70: {  	_ =	swait.ge [sflag:s14], $0x3E80  }
0x71: {  	[sflag:s14] =	ssyncset.done $0x0  }
0x72: {  	s30 =	simm.s32 $0x13D00;
	[sflag:s14] =	ssyncadd.s32 $0xFFFFC180  }
0x73: {  	[tilespmem:s18], [sflag:$0x1] =	stream.indirect.gather [hbm4b:s2+s17], $0x80, s30, s17, $0xb8;
	[tilespmem:$0x1E400] =	vst v63  }
0x74: {  	_ =	swait.ge [sflag:s21], $0x3E80  }
0x75: {  	[sflag:s21] =	ssyncset.done $0x0  }
0x76: {  	s31 =	simm.s32 $0x15080;
	[sflag:s21] =	ssyncadd.s32 $0xFFFFC180  }
0x77: {  	[spmem:s3] =	stream.indirect.scatter.add.f32 [tilespmem:s19], [sflag:$0x3], $0x80, s31, s17, $0xb8;
	[tilespmem:$0x1E400] =	vst v63  }
0x78: {  	_ =	swait.ge [sflag:s14], $0x3E80  }
0x79: {  	s26 =	simm.s32 $0x100;
	s28 =	simm.s32 $0x800;
	[sflag:s14] =	ssyncset.done $0x0  }
.LBB2_4:
0x7a: {  	s29 =	sadd.s32 $0x13C80, s26  }
0x7b: {  	[sflag:s14] =	ssyncadd.s32 $0xFFFFC180;
	s30 =	smov.u32 s28;
	s31 =	sadd.s32 $0x400, s28  }
0x7c: {  	[tilespmem:s19], [sflag:$0x2] =	stream.indirect.gather [hbm4b:s2+s17], $0x80, s29, s17, $0xb8;
	[tilespmem:$0x1E400] =	vst v63  }
0x7d: {  	p0 =	sne.s32 s28, $0x4800;
	_ =	swait.ge [sflag:s20], $0x3E80  }
0x7e: {  	[sflag:s20] =	ssyncset.done $0x0  }
0x7f: {  	s28 =	sadd.s32 $0x15000, s26;
	[sflag:s20] =	ssyncadd.s32 $0xFFFFC180  }
0x80: {  	[spmem:s3] =	stream.indirect.scatter.add.f32 [tilespmem:s18], [sflag:$0x3], $0x80, s28, s17, $0xb8;
	[tilespmem:$0x1E400] =	vst v63  }
0x81: {  	_ =	swait.ge [sflag:s14], $0x3E80  }
0x82: {  	[sflag:s14] =	ssyncset.done $0x0  }
0x83: {  	s28 =	sadd.s32 $0x13D00, s26;
	[sflag:s14] =	ssyncadd.s32 $0xFFFFC180  }
0x84: {  	[tilespmem:s18], [sflag:$0x1] =	stream.indirect.gather [hbm4b:s2+s17], $0x80, s28, s17, $0xb8;
	[tilespmem:$0x1E400] =	vst v63  }
0x85: {  	_ =	swait.ge [sflag:s21], $0x3E80  }
.Ltmp1:
0x86: {  	[sflag:s21] =	ssyncset.done $0x0;
	(pc) =	sbr.rel @p0 .LBB2_4-.Ltmp1, $4  }
0x87: {  	s26 =	sadd.s32 $0x15080, s26;
	[sflag:s21] =	ssyncadd.s32 $0xFFFFC180  }
0x88: {  	[spmem:s3] =	stream.indirect.scatter.add.f32 [tilespmem:s19], [sflag:$0x3], $0x80, s26, s17, $0xb8;
	[tilespmem:$0x1E400] =	vst v63  }
0x89: {  	_ =	swait.ge [sflag:s14], $0x3E80  }
0x8a: {  	s28 =	smov.u32 s31;
	s26 =	sshra.s32 s30, $0x2;
	[sflag:s14] =	ssyncset.done $0x0  }
0x8b: {  	s28 =	sadd.s32 $0x13C80, s26;
	[sflag:s14] =	ssyncadd.s32 $0xFFFFC180  }
0x8c: {  	[tilespmem:s19], [sflag:$0x2] =	stream.indirect.gather [hbm4b:s2+s17], $0x80, s28, s17, $0xb8;
	[tilespmem:$0x1E400] =	vst v63  }
0x8d: {  	_ =	swait.ge [sflag:s20], $0x3E80  }
0x8e: {  	[sflag:s20] =	ssyncset.done $0x0  }
0x8f: {  	s29 =	sadd.s32 $0x15000, s26;
	[sflag:s20] =	ssyncadd.s32 $0xFFFFC180  }
0x90: {  	[spmem:s3] =	stream.indirect.scatter.add.f32 [tilespmem:s18], [sflag:$0x3], $0x80, s29, s17, $0xb8;
	[tilespmem:$0x1E400] =	vst v63  }
0x91: {  	_ =	swait.ge [sflag:s14], $0x3E80  }
0x92: {  	[sflag:s14] =	ssyncset.done $0x0  }
0x93: {  	s30 =	sadd.s32 $0x13D00, s26;
	[sflag:s14] =	ssyncadd.s32 $0xFFFFC180  }
0x94: {  	[tilespmem:s18], [sflag:$0x1] =	stream.indirect.gather [hbm4b:s2+s17], $0x80, s30, s17, $0xb8;
	[tilespmem:$0x1E400] =	vst v63  }
0x95: {  	_ =	swait.ge [sflag:s21], $0x3E80  }
0x96: {  	[sflag:s21] =	ssyncset.done $0x0  }
0x97: {  	s31 =	sadd.s32 $0x15080, s26;
	[sflag:s21] =	ssyncadd.s32 $0xFFFFC180  }
0x98: {  	[spmem:s3] =	stream.indirect.scatter.add.f32 [tilespmem:s19], [sflag:$0x3], $0x80, s31, s17, $0xb8;
	[tilespmem:$0x1E400] =	vst v63  }
0x99: {  	_ =	swait.ge [sflag:s14], $0x3E80  }
0x9a: {  	[sflag:s14] =	ssyncset.done $0x0  }
0x9b: {  	[sflag:s14] =	ssyncadd.s32 $0xFFFFC180  }
0x9c: {  	[tilespmem:s19], [sflag:$0x2] =	stream.indirect.gather [hbm4b:s2+s17], $0x80, s22, s17, $0xb8;
	[tilespmem:$0x1E400] =	vst v63  }
0x9d: {  	_ =	swait.ge [sflag:s20], $0x3E80  }
0x9e: {  	[sflag:s20] =	ssyncset.done $0x0  }
0x9f: {  	[sflag:s20] =	ssyncadd.s32 $0xFFFFC180  }
0xa0: {  	[spmem:s3] =	stream.indirect.scatter.add.f32 [tilespmem:s18], [sflag:$0x3], $0x80, s23, s17, $0xb8;
	[tilespmem:$0x1E400] =	vst v63  }
0xa1: {  	_ =	swait.ge [sflag:s14], $0x3E80  }
0xa2: {  	[sflag:s14] =	ssyncset.done $0x0  }
0xa3: {  	[sflag:s14] =	ssyncadd.s32 $0xFFFFC180  }
0xa4: {  	_ =	swait.ge [sflag:s21], $0x3E80  }
0xa5: {  	[sflag:s21] =	ssyncset.done $0x0  }
0xa6: {  	[sflag:s21] =	ssyncadd.s32 $0xFFFFC180  }
0xa7: {  	[spmem:s3] =	stream.indirect.scatter.add.f32 [tilespmem:s19], [sflag:$0x3], $0x80, s24, s17, $0xb8;
	[tilespmem:$0x1E400] =	vst v63  }
0xa8: {  	_ =	swait.ge [sflag:s14], $0x3E80  }
0xa9: {  	s25 =	sadd.s32 $0x1, s25;
	[sflag:s14] =	ssyncset.done $0x0  }
0xaa: {  	p0 =	sne.s32 s25, s12;
	[sflag:s14] =	ssyncadd.s32 $0xFFFFC180  }
.Ltmp2:
0xab: {  	[bflag:$0x0] =	sbarrier.arrive $0xFFFF;
	(pc) =	sbr.rel @p0 .LBB2_1-.Ltmp2, $4  }
0xac: {  	[hbm:s11], [sflag:s6] =	dma.local [spmem:s13], $0x2780  }
0xad: {  	_ =	swait.ge [sflag:s14], $0x2780  }
0xae: {  	[sflag:s14] =	ssyncset.done $0x0  }
0xaf: {  	[sflag:s14] =	ssyncadd.s32 $0xFFFFD880  }
0xb0: {  	_ =	sfence.sel $0x180000  }
0xb1: {  	[bflag:$0x0] =	sbarrier.arrive $0xFFFF  }
0xb2: {  	p0 =	sne.s32 s0, $0x0;
	_ =	strace $0x9000004D  }
0xb3: {  	s0 =	sadd.s32 @!p0 $0x100000, s1;
	[bflag:$0x2] =	sbarrier.arrive $0xFFFF  }
0xb4: {  	[sflag:s0] =	ssyncadd.tile.s32 @!p0 $0x1;
	_ =	shalt  }
.Lfunc_end2:
_tile_overlayer_lowered:
.L_overlay_start_2:
0xb5: {  	(tag) =	ssettag $0x2  }
0xb6: {  	s0 =	rddreg [dreg:$0x0];
	s2 =	stileid.u32  }
0xb7: {  	s1 =	rddreg [dreg:$0x1];
	p0 =	sne.s32 s2, $0x0  }
0xb8: {  	s3 =	rddreg [dreg:$0x2];
	[bflag:$0x3] =	sbarrier.arrive $0xFFFF;
	s2 =	simm.s32 @!p0 $0x1C03  }
0xb9: {  	[timem:s3], [sflag:s2] =	dma.local @!p0 [hbm:s0], s1  }
0xba: {  	s0 =	simm.s32 @!p0 $0x3  }
0xbb: {  	_ =	swait.ge @!p0 [sflag:s0], s1  }
0xbc: {  	s1 =	ssub.s32 @!p0 $0x0, s1;
	[sflag:s0] =	ssyncset.done @!p0 $0x0  }
0xbd: {  	[sflag:s0] =	ssyncadd.s32 @!p0 s1  }
0xbe: {  	[bflag:$0x3] =	sbarrier.arrive $0xFFFF  }
0xbf: {  	_ =	shalt  }

// kernel: kernel.8.cloned.1.call-start
scs
__scs_entry_jumppad:
0x0: {  	(pc) =	sbr.rel $0x88, $3  }
0x1: {  	(tag) =	ssettag $0x0;
	lr =	simm.s32 $0x1  }
0x2: {  	[smem:$0x3F99] =	sst lr;
	_ =	strace $0xD0000000  }
0x3: {  	_ = 	snop  }
0x4: {  	_ = 	snop  }
0x5: {  	_ = 	snop  }
0x6: {  	_ = 	snop  }
0x7: {  	_ = 	snop  }
__scs_overlays_trampoline_lowered:
0x8: {  	[smem:$0x3FA8] =	sst s0  }
0x9: {  	[smem:$0x3FA9] =	sst s1  }
0xa: {  	[smem:$0x3FAA] =	sst s2  }
0xb: {  	[smem:$0x3FAB] =	sst s3  }
0xc: {  	[smem:$0x3FAC] =	sst s4  }
0xd: {  	[smem:$0x3FAD] =	sst s5  }
0xe: {  	[smem:$0x3FAE] =	sst s6  }
0xf: {  	[smem:$0x3FAF] =	sst s7  }
0x10: {  	[smem:$0x3FB0] =	sst s8  }
0x11: {  	[smem:$0x3FB1] =	sst s9;
	s0 =	simm.s32 @!p0 $0x0  }
0x12: {  	s1 =	sld [smem:$0x3F97];
	s0 =	simm.s32 @p0 $0x1  }
0x13: {  	[smem:$0x3FB2] =	sst s0;
	s0 =	simm.s32 @!p1 $0x0  }
0x14: {  	s2 =	sld [smem:$0x3F96];
	s0 =	simm.s32 @p1 $0x1  }
0x15: {  	[smem:$0x3FB3] =	sst s0;
	s0 =	simm.s32 @!p2 $0x0  }
0x16: {  	s3 =	sld [smem:$0x3FDB];
	s0 =	simm.s32 @p2 $0x1  }
0x17: {  	s4 =	simm.s32 $0x1BF5;
	[smem:$0x3FB5] =	sst s0  }
0x18: {  	s0 =	sld [smem:$0x3F98];
	_ =	swait.ge [sflag:s4], $0x0  }
0x19: {  	s7 =	sld [smem:$0x3F99]  }
0x1a: {  	s8 =	sadd.s32 $0xFFFFE003, lr  }
0x1b: {  	s9 =	sadd.s32 $0xFFFFFEF7, lr;
	s5 =	simm.s32 $0xFFFFFFFF;
	p2 =	slt.u32 s8, $0xFFFFF086  }
0x1c: {  	p1 =	slt.u32 s9, $0xF7A;
	s5 =	simm.s32 @!p2 $0x0  }
0x1d: {  	s5 =	simm.s32 @p1 $0x1;
	p0 =	seq.s32 s7, s2  }
0x1e: {  	s7 =	smul.u32 @!p0 $0xF7A, s2;
	p2 =	seq.s32 @!p0 s5, $0x0  }
0x1f: {  	s9 =	smul.u32 $0xF7A, s1;
	s8 =	simm.s32 @!p0 $0x1BF5;
	p2 =	por !p2, p0  }
0x20: {  	[sflag:s8] =	ssyncset.s32 @!p0 $0xFFFFF086;
	s6 =	sadd.s32 @!p0 s3, s7;
	s7 =	simm.s32 @!p0 $0x108  }
0x21: {  	s3 =	sadd.s32 s3, s9;
	s6 =	sadd.s32 @!p0 $0x88, s6;
	s7 =	simm.s32 @p2 $0x1082  }
0x22: {  	[simem:s7], [sflag:s8] =	dma.local @!p0 [hbm:s6], $0xF7A  }
0x23: {  	s9 =	sor.u32 $0xD0000000, s2;
	s6 =	simm.s32 $0x108;
	_ =	swait.ge @!p0 [sflag:s8], $0x0  }
0x24: {  	s3 =	sadd.s32 $0x88, s3;
	s6 =	simm.s32 @!p1 $0x1082;
	[sflag:s4] =	ssyncset.s32 $0xFFFFF086  }
0x25: {  	[simem:s6], [sflag:s4] =	dma.local [hbm:s3], $0xF7A  }
0x26: {  	[smem:$0x3F99] =	sst s1;
	(tag) =	ssettag s2;
	_ =	strace s9  }
0x27: {  	s1 =	sld [smem:$0x3FA9]  }
0x28: {  	s2 =	sld [smem:$0x3FAA]  }
0x29: {  	s4 =	sld [smem:$0x3FAC]  }
0x2a: {  	p0 =	seq.s32 s5, $0x0;
	s5 =	sld [smem:$0x3FAD]  }
0x2b: {  	s6 =	sld [smem:$0x3FAE]  }
0x2c: {  	s7 =	sld [smem:$0x3FAF]  }
0x2d: {  	s3 =	simm.s32 $0x108;
	s8 =	sld [smem:$0x3FB0]  }
0x2e: {  	s3 =	simm.s32 @!p0 $0x1082;
	s9 =	sld [smem:$0x3FB1]  }
0x2f: {  	lr =	sadd.s32 s0, s3;
	s0 =	sld [smem:$0x3FA8]  }
0x30: {  	s3 =	sld [smem:$0x3FAB]  }
0x31: {  	[smem:$0x3FB4] =	sst s10  }
0x32: {  	s10 =	sld [smem:$0x3FB2];
	_ =	sdelay $0x3  }
0x33: {  	p0 =	seq.s32 s10, $0x1;
	s10 =	sld [smem:$0x3FB4];
	_ =	sdelay $0x3  }
0x34: {  	[smem:$0x3FB4] =	sst s10  }
0x35: {  	s10 =	sld [smem:$0x3FB3];
	_ =	sdelay $0x3  }
0x36: {  	p1 =	seq.s32 s10, $0x1;
	s10 =	sld [smem:$0x3FB4];
	_ =	sdelay $0x3  }
0x37: {  	[smem:$0x3FB4] =	sst s10  }
0x38: {  	s10 =	sld [smem:$0x3FB5]  }
0x39: {  	_ = 	snop;
	(pc) =	sbr.ind lr, $3  }
0x3a: {  	_ = 	snop  }
0x3b: {  	_ = 	snop  }
0x3c: {  	p2 =	seq.s32 s10, $0x1;
	s10 =	sld [smem:$0x3FB4]  }
0x3d: {  	_ =	shalt  }
0x3e: {  	_ =	shalt  }
0x3f: {  	_ =	shalt  }
0x40: {  	_ =	shalt  }
0x41: {  	_ =	shalt  }
0x42: {  	_ =	shalt  }
0x43: {  	_ =	shalt  }
0x44: {  	_ =	shalt  }
0x45: {  	_ =	shalt  }
0x46: {  	_ =	shalt  }
0x47: {  	_ =	shalt  }
0x48: {  	_ =	shalt  }
0x49: {  	_ =	shalt  }
0x4a: {  	_ =	shalt  }
0x4b: {  	_ =	shalt  }
0x4c: {  	_ =	shalt  }
0x4d: {  	_ =	shalt  }
0x4e: {  	_ =	shalt  }
0x4f: {  	_ =	shalt  }
0x50: {  	_ =	shalt  }
0x51: {  	_ =	shalt  }
0x52: {  	_ =	shalt  }
0x53: {  	_ =	shalt  }
0x54: {  	_ =	shalt  }
0x55: {  	_ =	shalt  }
0x56: {  	_ =	shalt  }
0x57: {  	_ =	shalt  }
0x58: {  	_ =	shalt  }
0x59: {  	_ =	shalt  }
0x5a: {  	_ =	shalt  }
0x5b: {  	_ =	shalt  }
0x5c: {  	_ =	shalt  }
0x5d: {  	_ =	shalt  }
0x5e: {  	_ =	shalt  }
0x5f: {  	_ =	shalt  }
0x60: {  	_ =	shalt  }
0x61: {  	_ =	shalt  }
0x62: {  	_ =	shalt  }
0x63: {  	_ =	shalt  }
0x64: {  	_ =	shalt  }
0x65: {  	_ =	shalt  }
0x66: {  	_ =	shalt  }
0x67: {  	_ =	shalt  }
0x68: {  	_ =	shalt  }
0x69: {  	_ =	shalt  }
0x6a: {  	_ =	shalt  }
0x6b: {  	_ =	shalt  }
0x6c: {  	_ =	shalt  }
0x6d: {  	_ =	shalt  }
0x6e: {  	_ =	shalt  }
0x6f: {  	_ =	shalt  }
0x70: {  	_ =	shalt  }
0x71: {  	_ =	shalt  }
0x72: {  	_ =	shalt  }
0x73: {  	_ =	shalt  }
0x74: {  	_ =	shalt  }
0x75: {  	_ =	shalt  }
0x76: {  	_ =	shalt  }
0x77: {  	_ =	shalt  }
0x78: {  	_ =	shalt  }
0x79: {  	_ =	shalt  }
0x7a: {  	_ =	shalt  }
0x7b: {  	_ =	shalt  }
0x7c: {  	_ =	shalt  }
0x7d: {  	_ =	shalt  }
0x7e: {  	_ =	shalt  }
0x7f: {  	_ =	shalt  }
0x80: {  	_ =	shalt  }
0x81: {  	_ =	shalt  }
0x82: {  	_ =	shalt  }
0x83: {  	_ =	shalt  }
0x84: {  	_ =	shalt  }
0x85: {  	_ =	shalt  }
0x86: {  	_ =	shalt  }
0x87: {  	_ =	shalt  }
.Lfunc_end0:
.L_simem_size_0:
called_computation_lowered:
.L_overlay_start_0:
0x88: {  	s2 =	sld [smem:$0x3FD9]  }
0x89: {  	s3 =	sld [smem:$0x3FFE];
	_ =	sdelay $0x1  }
0x8a: {  	s1 =	srdreg.scid  }
0x8b: {  	s0 =	sand.u32 $0x1, s1  }
0x8c: {  	s17 =	sshll.u32 s0, $0xA;
	s2 =	sadd.s32 s3, s2  }
0x8d: {  	s2 =	sadd.s32 s2, s17  }
0x8e: {  	[smem:$0x3FC0] =	sst s2  }
0x8f: {  	_ = 	snop  }
0x90: {  	s2 =	sld [smem:$0x3FD0];
	(tm) =	ssettm $0x1  }
0x91: {  	s18 =	sld [smem:$0x3FFB];
	_ =	sdelay $0x3  }
0x92: {  	_ =	strace s18  }
0x93: {  	s3 =	sld [smem:$0x3FFC];
	_ =	sdelay $0x3  }
0x94: {  	_ =	strace s3  }
0x95: {  	s3 =	sld [smem:$0x3FFD];
	_ =	sdelay $0x3  }
0x96: {  	_ =	strace s3  }
0x97: {  	_ =	strace $0x8FFFFFFF  }
0x98: {  	s19 =	sld [smem:$0x3FDB];
	_ =	sdelay $0x1  }
0x99: {  	s4 =	simm.s32 $_scs_section_size  }
0x9a: {  	s5 =	simm.s32 $_size__tile_overlayer_lowered;
	s6 =	simm.s32 $_tile_overlayer_lowered  }
0x9b: {  	s22 =	simm.s32 $0x1BFF;
	s21 =	sshll.u32 s6, $0x1;
	s3 =	sadd.s32 s4, s19  }
0x9c: {  	s7 =	simm.s32 $0x0;
	s20 =	sshll.u32 s5, $0x1;
	s5 =	sadd.s32 s21, s3  }
0x9d: {  	[timem:s7], [sflag:s22] =	dma.local [hbm:s5], s20  }
0x9e: {  	_ =	swait.ge [sflag:s22], s20  }
0x9f: {  	s4 =	ssub.s32 $0x0, s20;
	[sflag:s22] =	ssyncset.done $0x0  }
0xa0: {  	[sflag:s22] =	ssyncadd.s32 s4;
	_ =	sdelay $0x1  }
0xa1: {  	s23 =	simm.s32 $0x1B8B  }
0xa2: {  	_ =	swait.ge [sflag:s23], $0x1  }
0xa3: {  	[sflag:s23] =	ssyncset.done $0x0  }
0xa4: {  	s25 =	simm.s32 $0x1B8E;
	s24 =	sld [smem:$0x3FFE];
	[sflag:s23] =	ssyncadd.s32 $0xFFFFFFFF  }
0xa5: {  	s26 =	simm.s32 $execute0_lowered;
	[smem:$0x3FD2] =	sst s25  }
0xa6: {  	s5 =	sshll.u32 s26, $0x1;
	_ =	strace $0x80000046;
	[dreg:$0x1] =	wrdreg $0xFFFFFFFF  }
0xa7: {  	s28 =	simm.s32 $_size_execute0_lowered;
	s3 =	sadd.s32 s3, s5;
	[dreg:$0x0] =	wrdreg $0x0  }
0xa8: {  	s5 =	sshll.u32 s28, $0x1;
	[dreg:$0x2] =	wrdreg s3  }
0xa9: {  	[dreg:$0x3] =	wrdreg s5  }
0xaa: {  	[dreg:$0x4] =	wrdreg $0xC0  }
0xab: {  	_ =	task [dreg:s7], $0x5FFFF  }
0xac: {  	[dreg:$0x1] =	wrdreg $0xFFFFFFFF  }
0xad: {  	[dreg:$0x0] =	wrdreg $0x60  }
0xae: {  	[dreg:$0x2] =	wrdreg s2  }
0xaf: {  	[dreg:$0x3] =	wrdreg s24  }
0xb0: {  	[dreg:$0x4] =	wrdreg $0x0  }
0xb1: {  	[dreg:$0x5] =	wrdreg $0x9  }
0xb2: {  	_ =	task.clear_ibuf [dreg:s7], $0x6FFFF;
	_ =	strace $0x90000046  }
0xb3: {  	s29 =	simm.s32 $0x9;
	_ =	strace $0x80000048  }
0xb4: {  	_ =	swait.ge [sflag:s29], $0x1  }
0xb5: {  	[sflag:s29] =	ssyncadd.s32 $0xFFFFFFFF  }
0xb6: {  	_ =	strace $0x90000048  }
0xb7: {  	_ =	sfence  }
0xb8: {  	s30 =	sld [smem:$0x0];
	_ =	sdelay $0x2  }
0xb9: {  	s31 =	sshll.u32 s1, $0xD;
	s1 =	sshrl.u32 s1, $0x2  }
0xba: {  	s3 =	sand.u32 $0x4000, s31;
	s1 =	sadd.s32 s1, s30  }
0xbb: {  	s0 =	sor.u32 s3, s0;
	s1 =	sshll.u32 s1, $0x11  }
0xbc: {  	s0 =	sor.u32 s1, s0  }
0xbd: {  	s0 =	sadd.s32 $0x8F2B, s0  }
0xbe: {  	[sflag:s0] =	ssyncadd.remote.s32 $0x1  }
0xbf: {  	_ =	sfence.sel $0xFFFF  }
0xc0: {  	[dreg:$0x0] =	wrdreg $0xFFFFFFFF;
	(pc) =	sbr.abs _section_cstart, $3  }
0xc1: {  	[dreg:$0x1] =	wrdreg $0xFFFFFFFF  }
0xc2: {  	_ =	task.clear_ibuf [dreg:s7], $0x2FFFF;
	_ =	strace $0x9FFFFFFF  }
0xc3: {  	(tm) =	ssettm $0x7FFFFFFF  }
tec
execute0_lowered:
.L_overlay_start_1:
0x0: {  	(tag) =	ssettag $0x1  }
0x1: {  	s9 =	rddreg [dreg:$0x0]  }
0x2: {  	s6 =	rddreg [dreg:$0x1]  }
0x3: {  	s1 =	rddreg [dreg:$0x2];
	s2 =	srdreg.scid  }
0x4: {  	s0 =	rddreg [dreg:$0x3];
	s7 =	sand.u32 $0x1, s2  }
0x5: {  	s3 =	simm.s32 $0x0;
	s2 =	stileid.u32;
	s8 =	smul.u32 $0x13C000, s7  }
0x6: {  	s14 =	simm.s32 $0x7D;
	s15 =	simm.s32 $0x0;
	s10 =	smul.u32 $0x13C00, s2  }
0x7: {  	[smem:$0x7FF] =	sst s3;
	s4 =	sadd.s32 $0x2E00, s6;
	s11 =	smul.u32 $0x28000, s7  }
0x8: {  	s5 =	sadd.s32 $0x3600, s6;
	s7 =	ssub.s32 $0x2, s7;
	s26 =	smul.u32 $0x2800, s2  }
0x9: {  	_ =	strace $0x80000047;
	s13 =	smul.u32 $0x4F000, s2;
	s12 =	sshrl.u32 s7, $0x1  }
0xa: {  	s30 =	sshll.u32 s2, $0x6;
	s8 =	sadd.s32 s10, s8;
	s12 =	ssub.s32 s7, s12  }
0xb: {  	s28 =	sadd.s32 s26, s11;
	s29 =	sshrl.u32 s13, $0x2;
	s8 =	sshrl.u32 s8, $0x3  }
0xc: {  	s11 =	sadd.s32 $0x50000, s28;
	s13 =	sadd.s32 s29, s1;
	s8 =	sadd.s32 s8, s6  }
0xd: {  	s6 =	sor.u32 $0x1C01, s30;
	s31 =	sshrl.u32 s11, $0x3;
	s10 =	sshrl.u32 s13, $0x3  }
0xe: {  	s11 =	simm.s32 $0x1;
	s13 =	simm.s32 $0x13C00;
	s7 =	sadd.s32 $0x5E00, s8  }
0xf: {  	s8 =	smax.u32 s12, $0x1;
	s9 =	sadd.s32 s31, s9;
	s12 =	simm.s32 $0x13C80  }
.LBB2_1:
0x10: {  	[spmem:s10], [sflag:s6] =	dma.local [hbm:s5], $0x2780  }
0x11: {  	_ =	swait.ge [sflag:s11], $0x2780  }
0x12: {  	[sflag:s11] =	ssyncset.done $0x0  }
0x13: {  	[sflag:s11] =	ssyncadd.s32 $0xFFFFD880  }
0x14: {  	[tilespmem:s12], [sflag:$0x1] =	stream.linear.gather [hbm4b:s4+s3], $0x3E80, $0x38;
	[tilespmem:$0x17C80] =	vst v63  }
0x15: {  	_ =	swait.ge [sflag:s11], $0x3E80  }
0x16: {  	[sflag:s11] =	ssyncset.done $0x0  }
0x17: {  	[sflag:s11] =	ssyncadd.s32 $0xFFFFC180  }
0x18: {  	s16 =	sadd.s32 $0x0, s9;
	[bflag:$0x0] =	sbarrier.arrive $0xFFFF  }
0x19: {  	[tilespmem:s13], [sflag:$0x1] =	stream.linear.gather [hbm4b:s16+s3], $0x80, $0x38;
	[tilespmem:$0x17C80] =	vst v63  }
0x1a: {  	_ =	swait.ge [sflag:s11], $0x80  }
0x1b: {  	[sflag:s11] =	ssyncset.done $0x0  }
0x1c: {  	[sflag:s11] =	ssyncadd.s32 $0xFFFFFF80  }
0x1d: {  	[spmem:s1] =	stream.indirect.scatter.add.f32 [tilespmem:s12], [sflag:$0x1], $0x80, s13, s14, $0xb8;
	[tilespmem:$0x17C80] =	vst v63  }
0x1e: {  	_ =	swait.ge [sflag:s11], $0x3E80  }
0x1f: {  	s17 =	simm.s32 $0x20;
	s16 =	simm.s32 $0x10;
	[sflag:s11] =	ssyncset.done $0x0  }
.LBB2_2:
0x20: {  	s18 =	sadd.s32 s16, s9  }
0x21: {  	[sflag:s11] =	ssyncadd.s32 $0xFFFFC180;
	s16 =	smov.u32 s17;
	s19 =	sadd.s32 $0x10, s17  }
0x22: {  	[tilespmem:s13], [sflag:$0x1] =	stream.linear.gather [hbm4b:s18+s3], $0x80, $0x38;
	[tilespmem:$0x17C80] =	vst v63  }
0x23: {  	p0 =	sne.s32 s17, $0x4F0;
	_ =	swait.ge [sflag:s11], $0x80  }
.Ltmp0:
0x24: {  	[sflag:s11] =	ssyncset.done $0x0;
	(pc) =	sbr.rel @p0 .LBB2_2-.Ltmp0, $4  }
0x25: {  	[sflag:s11] =	ssyncadd.s32 $0xFFFFFF80  }
0x26: {  	[spmem:s1] =	stream.indirect.scatter.add.f32 [tilespmem:s12], [sflag:$0x1], $0x80, s13, s14, $0xb8;
	[tilespmem:$0x17C80] =	vst v63  }
0x27: {  	_ =	swait.ge [sflag:s11], $0x3E80  }
0x28: {  	s17 =	smov.u32 s19;
	[sflag:s11] =	ssyncset.done $0x0  }
0x29: {  	s16 =	sadd.s32 s16, s9;
	[sflag:s11] =	ssyncadd.s32 $0xFFFFC180  }
0x2a: {  	[tilespmem:s13], [sflag:$0x1] =	stream.linear.gather [hbm4b:s16+s3], $0x80, $0x38;
	[tilespmem:$0x17C80] =	vst v63  }
0x2b: {  	_ =	swait.ge [sflag:s11], $0x80  }
0x2c: {  	[sflag:s11] =	ssyncset.done $0x0  }
0x2d: {  	[sflag:s11] =	ssyncadd.s32 $0xFFFFFF80  }
0x2e: {  	[spmem:s1] =	stream.indirect.scatter.add.f32 [tilespmem:s12], [sflag:$0x1], $0x80, s13, s14, $0xb8;
	[tilespmem:$0x17C80] =	vst v63  }
0x2f: {  	_ =	swait.ge [sflag:s11], $0x3E80  }
0x30: {  	s15 =	sadd.s32 $0x1, s15;
	[sflag:s11] =	ssyncset.done $0x0  }
0x31: {  	p0 =	sne.s32 s15, s8;
	[sflag:s11] =	ssyncadd.s32 $0xFFFFC180  }
.Ltmp1:
0x32: {  	[bflag:$0x0] =	sbarrier.arrive $0xFFFF;
	(pc) =	sbr.rel @p0 .LBB2_1-.Ltmp1, $4  }
0x33: {  	[hbm:s7], [sflag:s6] =	dma.local [spmem:s10], $0x2780  }
0x34: {  	_ =	swait.ge [sflag:s11], $0x2780  }
0x35: {  	[sflag:s11] =	ssyncset.done $0x0  }
0x36: {  	[sflag:s11] =	ssyncadd.s32 $0xFFFFD880  }
0x37: {  	_ =	sfence.sel $0x180000  }
0x38: {  	[bflag:$0x0] =	sbarrier.arrive $0xFFFF  }
0x39: {  	p0 =	sne.s32 s2, $0x0;
	_ =	strace $0x90000047  }
0x3a: {  	s0 =	sadd.s32 @!p0 $0x100000, s0;
	[bflag:$0x2] =	sbarrier.arrive $0xFFFF  }
0x3b: {  	[sflag:s0] =	ssyncadd.tile.s32 @!p0 $0x1;
	_ =	shalt  }
.Lfunc_end2:
_tile_overlayer_lowered:
.L_overlay_start_2:
0x3c: {  	(tag) =	ssettag $0x2  }
0x3d: {  	s0 =	rddreg [dreg:$0x0];
	s2 =	stileid.u32  }
0x3e: {  	s1 =	rddreg [dreg:$0x1];
	p0 =	sne.s32 s2, $0x0  }
0x3f: {  	s3 =	rddreg [dreg:$0x2];
	[bflag:$0x3] =	sbarrier.arrive $0xFFFF;
	s2 =	simm.s32 @!p0 $0x1C01  }
0x40: {  	[timem:s3], [sflag:s2] =	dma.local @!p0 [hbm:s0], s1  }
0x41: {  	s0 =	simm.s32 @!p0 $0x1  }
0x42: {  	_ =	swait.ge @!p0 [sflag:s0], s1  }
0x43: {  	s1 =	ssub.s32 @!p0 $0x0, s1;
	[sflag:s0] =	ssyncset.done @!p0 $0x0  }
0x44: {  	[sflag:s0] =	ssyncadd.s32 @!p0 s1  }
0x45: {  	[bflag:$0x3] =	sbarrier.arrive $0xFFFF  }
0x46: {  	_ =	shalt  }

</sc_bundles>
